<compile_context>
chip_gen: v7x
topology: tpu7x:2x2x1
jax: 0.10.2.dev20260603
libtpu: 0.0.44.dev20260713+nightly
codegen_flags: <defaults>
</compile_context>

<pallas_src>
import functools

import jax
import jax.numpy as jnp
from jax import lax
from jax.experimental import pallas as pl
from jax.experimental.pallas import tpu as pltpu
from jax.experimental.pallas import tpu_sc as plsc

_N = 100000
_C = 512
_NC = 2
_NS = 16
_NW = _NC * _NS
_L = 16
_CHUNK = 3136
_TAIL = _N - (_NW - 1) * _CHUNK
_VECS = _CHUNK // _L
_TVECS = _TAIL // _L
_RED = 4
_COLS = _C // _RED

_mesh = plsc.VectorSubcoreMesh(core_axis_name="c", subcore_axis_name="s",
                               num_cores=_NC, num_subcores=_NS)


@functools.partial(
    pl.kernel,
    out_type=jax.ShapeDtypeStruct((_NC, _C), jnp.float32),
    mesh=_mesh,
    scratch_types=[
        pltpu.VMEM((_CHUNK,), jnp.float32),
        pltpu.VMEM((_CHUNK + _L,), jnp.int32),
        pltpu.VMEM((_C,), jnp.float32),
        pltpu.VMEM((_NS, _COLS), jnp.float32),
        pltpu.VMEM((_COLS,), jnp.float32),
        pltpu.VMEM_SHARED((_NS, _C), jnp.float32),
        pltpu.SemaphoreType.DMA,
        pltpu.SemaphoreType.DMA,
    ],
    compiler_params=pltpu.CompilerParams(needs_layout_passes=False),
)
def _seg_sum_sc(inputs_hbm, labels_hbm, out_hbm,
                vals_v, labs_v, acc_v, all_v, out_v, shared, sem_a, sem_b):
    cid = lax.axis_index("c")
    sid = lax.axis_index("s")
    wid = sid * _NC + cid
    base = wid * _CHUNK
    is_tail = wid == _NW - 1

    zeros = jnp.zeros((_L,), jnp.float32)

    def zbody(j, carry):
        acc_v[pl.ds(j * _L, _L)] = zeros
        return carry

    not_top = jnp.arange(_L, dtype=jnp.int32) < _L - 1
    is_top = jnp.logical_not(not_top)

    def body(i):
        lv = labs_v[pl.ds(i, _L)]
        vv = vals_v[pl.ds(i, _L)]
        lv1 = labs_v[pl.ds(i + 1, _L)]
        c = plsc.cumsum(vv)
        boundary = lv != lv1
        plsc.addupdate_scatter(acc_v, [lv], c,
                               mask=jnp.logical_or(boundary, is_top))
        plsc.addupdate_scatter(acc_v, [lv1], -c,
                               mask=jnp.logical_and(boundary, not_top))

    half = _CHUNK // 2
    thalf = _TAIL // 2

    @pl.when(jnp.logical_not(is_tail))
    def _():
        a = pltpu.async_copy(inputs_hbm.at[pl.ds(base, half)],
                             vals_v.at[pl.ds(0, half)], sem_a)
        b = pltpu.async_copy(labels_hbm.at[pl.ds(base, half)],
                             labs_v.at[pl.ds(0, half)], sem_b)
        lax.fori_loop(0, _C // _L, zbody, 0)
        a.wait()
        b.wait()
        a2 = pltpu.async_copy(inputs_hbm.at[pl.ds(base + half, half)],
                              vals_v.at[pl.ds(half, half)], sem_a)
        b2 = pltpu.async_copy(labels_hbm.at[pl.ds(base + half, half)],
                              labs_v.at[pl.ds(half, half)], sem_b)
        plsc.parallel_loop(0, half, _L, unroll=4)(body)
        a2.wait()
        b2.wait()
        plsc.parallel_loop(half, _CHUNK, _L, unroll=4)(body)

    @pl.when(is_tail)
    def _():
        a = pltpu.async_copy(inputs_hbm.at[pl.ds(base, thalf)],
                             vals_v.at[pl.ds(0, thalf)], sem_a)
        b = pltpu.async_copy(labels_hbm.at[pl.ds(base, thalf)],
                             labs_v.at[pl.ds(0, thalf)], sem_b)
        lax.fori_loop(0, _C // _L, zbody, 0)
        a.wait()
        b.wait()
        a2 = pltpu.async_copy(inputs_hbm.at[pl.ds(base + thalf, thalf)],
                              vals_v.at[pl.ds(thalf, thalf)], sem_a)
        b2 = pltpu.async_copy(labels_hbm.at[pl.ds(base + thalf, thalf)],
                              labs_v.at[pl.ds(thalf, thalf)], sem_b)
        plsc.parallel_loop(0, thalf, _L, unroll=4)(body)
        a2.wait()
        b2.wait()
        plsc.parallel_loop(thalf, _TAIL, _L, unroll=4)(body)

    pltpu.sync_copy(acc_v, shared.at[sid])
    plsc.subcore_barrier()

    @pl.when(sid < _RED)
    def _():
        col0 = sid * _COLS
        pltpu.sync_copy(shared.at[:, pl.ds(col0, _COLS)], all_v)
        nacc = _COLS // _L

        def rbody(r, accs):
            return tuple(a + all_v[r, pl.ds(g * _L, _L)]
                         for g, a in enumerate(accs))

        accs = lax.fori_loop(0, _NS, rbody, (zeros,) * nacc)
        for g in range(nacc):
            out_v[pl.ds(g * _L, _L)] = accs[g]
        pltpu.sync_copy(out_v, out_hbm.at[cid, pl.ds(col0, _COLS)])


def kernel(inputs, labels):
    partial = _seg_sum_sc(inputs, labels.astype(jnp.int32))
    return partial[0] + partial[1]

# --- scband reference (transcript-rebuilt; emitter-appended) ---
"""Pipeline reference for scband-model-geo-87935160418688 (READ-ONLY COPY).

The authoritative reference and input builder live on the scoring server;
editing this copy changes nothing except your own understanding.
"""

import jax, jax.numpy as jnp
import numpy as np

N_NEIGHBORHOODS = 100000
N_COMMUNITIES = 512

def setup_inputs(seed: int = 0) -> dict:
    key = jax.random.key(seed)
    k1, k2 = jax.random.split(key)
    # inputs: per-neighbourhood scalar (e.g. Population), shape (InputData.N,)
    inputs = jax.random.uniform(k1, (N_NEIGHBORHOODS,), dtype=jnp.float32)
    # labels: community assignment per neighbourhood, values in [0, N_COMMUNITIES)
    labels = jnp.sort(jax.random.randint(k2, (N_NEIGHBORHOODS,), 0, N_COMMUNITIES))
    return {"inputs": inputs, "labels": labels}

def reference(inputs, labels):
    # ModelGeo.call(inputs):
    #   indices = stack([labels, arange(N)], axis=1)
    #   Map = tf.scatter_nd(indices, inputs, shape=(C, N))   # one-hot placement
    #   return tf.reduce_sum(Map, axis=1)                     # (C,)
    # scatter_nd into (C, N) followed by reduce_sum over axis=1 is mathematically
    # exactly a segment-sum of `inputs` grouped by `labels` into C segments.
    out = jax.ops.segment_sum(inputs, labels, num_segments=N_COMMUNITIES)
    return out

if __name__ == "__main__":
    import jax
    _d = setup_inputs()
    print(jax.jit(kernel)(*tuple(_d.values())))

</pallas_src>

<mosaic_0001>
#map = affine_map<(d0, d1) -> (0)>
#map1 = affine_map<(d0, d1) -> (0, 0)>
module attributes {stable_mosaic.version = 14 : i64} {
  func.func @_seg_sum_sc(%arg0: i32, %arg1: i32, %arg2: memref<100000xf32, #tpu.memory_space<hbm>>, %arg3: memref<100000xi32, #tpu.memory_space<hbm>>, %arg4: memref<2x512xf32, #tpu.memory_space<hbm>>, %arg5: memref<3136xf32, #tpu.memory_space<vmem>>, %arg6: memref<3152xi32, #tpu.memory_space<vmem>>, %arg7: memref<512xf32, #tpu.memory_space<vmem>>, %arg8: memref<16x128xf32, #tpu.memory_space<vmem>>, %arg9: memref<128xf32, #tpu.memory_space<vmem>>, %arg10: memref<16x512xf32, #tpu.memory_space<vmem_shared>>, %arg11: memref<!tpu.dma_semaphore, #tpu.memory_space<semaphore_mem>>, %arg12: memref<!tpu.dma_semaphore, #tpu.memory_space<semaphore_mem>>) attributes {dimension_semantics = [#tpu.dimension_semantics<core_parallel>, #tpu.dimension_semantics<subcore_parallel>], iteration_bounds = array<i64: 2, 16>, scalar_prefetch = 0 : i64, scratch_operands = 8 : i64, tpu.core_type = #tpu.core_type<sc_vector_subcore>, window_params = [{transform_indices = #map}, {transform_indices = #map}, {transform_indices = #map1}]} {
    %mul3A = arith.constant 2 : i32
    %mul3A_0 = arith.muli %arg1, %mul3A : i32
    %add3A = arith.addi %mul3A_0, %arg0 : i32
    %mul3A_1 = arith.constant 3136 : i32
    %mul3A_2 = arith.muli %add3A, %mul3A_1 : i32
    %eq3A = arith.constant 31 : i32
    %eq3A_3 = arith.cmpi eq, %add3A, %eq3A : i32
    %broadcast_in_dim3A = arith.constant 0.000000e+00 : f32
    %broadcast_in_dim3A_4 = vector.broadcast %broadcast_in_dim3A : f32 to vector<16xf32>
    %iota3A = tpu.iota {dimensions = array<i32: 0>} : vector<16xi32>
    %lt3A = arith.constant 15 : i32
    %lt3A_5 = vector.broadcast %lt3A : i32 to vector<16xi32>
    %lt3A_6 = arith.cmpi slt, %iota3A, %lt3A_5 : vector<16xi32>
    %not3A = arith.constant dense<true> : vector<16xi1>
    %not3A_7 = arith.xori %lt3A_6, %not3A : vector<16xi1>
    %not3A_8 = arith.constant true
    %not3A_9 = arith.xori %eq3A_3, %not3A_8 : i1
    %convert_element_type3A = arith.extui %not3A_9 : i1 to i32
    %cond3A = arith.constant 0 : i32
    %cond3A_10 = arith.cmpi ne, %convert_element_type3A, %cond3A : i32
    scf.if %cond3A_10 {
      %dma_start3A = arith.constant 0 : i32
      %dma_start3A_19 = tpu.memref_slice %arg5[%dma_start3A] : memref<3136xf32, #tpu.memory_space<vmem>> -> memref<1568xf32, #tpu.memory_space<vmem>>
      %dma_start3A_20 = tpu.memref_slice %arg2[%mul3A_2] : memref<100000xf32, #tpu.memory_space<hbm>> -> memref<1568xf32, #tpu.memory_space<hbm>>
      %dma_start3A_21 = arith.constant 0 : i32
      %dma_start3A_22 = tpu.memref_slice %arg5[%dma_start3A_21] : memref<3136xf32, #tpu.memory_space<vmem>> -> memref<1568xf32, #tpu.memory_space<vmem>>
      %dma_start3A_23 = tpu.memref_slice %arg2[%mul3A_2] : memref<100000xf32, #tpu.memory_space<hbm>> -> memref<1568xf32, #tpu.memory_space<hbm>>
      tpu.enqueue_dma source(%dma_start3A_23 : memref<1568xf32, #tpu.memory_space<hbm>>) target(%dma_start3A_22 : memref<1568xf32, #tpu.memory_space<vmem>>) target_semaphore(%arg11 : memref<!tpu.dma_semaphore, #tpu.memory_space<semaphore_mem>>)
      %dma_start3A_24 = arith.constant 0 : i32
      %dma_start3A_25 = tpu.memref_slice %arg6[%dma_start3A_24] : memref<3152xi32, #tpu.memory_space<vmem>> -> memref<1568xi32, #tpu.memory_space<vmem>>
      %dma_start3A_26 = tpu.memref_slice %arg3[%mul3A_2] : memref<100000xi32, #tpu.memory_space<hbm>> -> memref<1568xi32, #tpu.memory_space<hbm>>
      %dma_start3A_27 = arith.constant 0 : i32
      %dma_start3A_28 = tpu.memref_slice %arg6[%dma_start3A_27] : memref<3152xi32, #tpu.memory_space<vmem>> -> memref<1568xi32, #tpu.memory_space<vmem>>
      %dma_start3A_29 = tpu.memref_slice %arg3[%mul3A_2] : memref<100000xi32, #tpu.memory_space<hbm>> -> memref<1568xi32, #tpu.memory_space<hbm>>
      tpu.enqueue_dma source(%dma_start3A_29 : memref<1568xi32, #tpu.memory_space<hbm>>) target(%dma_start3A_28 : memref<1568xi32, #tpu.memory_space<vmem>>) target_semaphore(%arg12 : memref<!tpu.dma_semaphore, #tpu.memory_space<semaphore_mem>>)
      %scan3A = arith.constant 0 : i32
      %scan3A_30 = arith.constant 0 : i32
      %scan3A_31 = arith.constant 32 : i32
      %scan3A_32 = arith.addi %scan3A_30, %scan3A_31 : i32
      %scan3A_33 = arith.constant 1 : i32
      scf.for %scan3A_79 = %scan3A_30 to %scan3A_32 step %scan3A_33  : i32 {
        %mul3A_80 = arith.constant 16 : i32
        %mul3A_81 = arith.muli %scan3A_79, %mul3A_80 : i32
        %swap3A = arith.index_cast %mul3A_81 : i32 to index
        %swap3A_82 = tpu.vector_load %arg7[%swap3A] {strides = array<i32>} : memref<512xf32, #tpu.memory_space<vmem>>, vector<16xf32>,
        tpu.vector_store %arg7[%swap3A], %broadcast_in_dim3A_4 {strides = array<i32>} : memref<512xf32, #tpu.memory_space<vmem>>, vector<16xf32>,
      }
      %scan3A_34 = arith.constant 32 : i32
      %dma_wait3A = arith.constant 0 : i32
      %dma_wait3A_35 = tpu.memref_slice %arg5[%dma_wait3A] : memref<3136xf32, #tpu.memory_space<vmem>> -> memref<1568xf32, #tpu.memory_space<vmem>>
      %dma_wait3A_36 = tpu.memref_slice %arg2[%mul3A_2] : memref<100000xf32, #tpu.memory_space<hbm>> -> memref<1568xf32, #tpu.memory_space<hbm>>
      %dma_wait3A_37 = arith.constant 0 : i32
      %dma_wait3A_38 = tpu.memref_slice %arg5[%dma_wait3A_37] : memref<3136xf32, #tpu.memory_space<vmem>> -> memref<1568xf32, #tpu.memory_space<vmem>>
      %dma_wait3A_39 = tpu.memref_slice %arg2[%mul3A_2] : memref<100000xf32, #tpu.memory_space<hbm>> -> memref<1568xf32, #tpu.memory_space<hbm>>
      tpu.wait_dma2 semaphore(%arg11 : memref<!tpu.dma_semaphore, #tpu.memory_space<semaphore_mem>>) src(%dma_wait3A_39 : memref<1568xf32, #tpu.memory_space<hbm>>) dst(%dma_wait3A_38 : memref<1568xf32, #tpu.memory_space<vmem>>)
      %dma_wait3A_40 = arith.constant 0 : i32
      %dma_wait3A_41 = tpu.memref_slice %arg6[%dma_wait3A_40] : memref<3152xi32, #tpu.memory_space<vmem>> -> memref<1568xi32, #tpu.memory_space<vmem>>
      %dma_wait3A_42 = tpu.memref_slice %arg3[%mul3A_2] : memref<100000xi32, #tpu.memory_space<hbm>> -> memref<1568xi32, #tpu.memory_space<hbm>>
      %dma_wait3A_43 = arith.constant 0 : i32
      %dma_wait3A_44 = tpu.memref_slice %arg6[%dma_wait3A_43] : memref<3152xi32, #tpu.memory_space<vmem>> -> memref<1568xi32, #tpu.memory_space<vmem>>
      %dma_wait3A_45 = tpu.memref_slice %arg3[%mul3A_2] : memref<100000xi32, #tpu.memory_space<hbm>> -> memref<1568xi32, #tpu.memory_space<hbm>>
      tpu.wait_dma2 semaphore(%arg12 : memref<!tpu.dma_semaphore, #tpu.memory_space<semaphore_mem>>) src(%dma_wait3A_45 : memref<1568xi32, #tpu.memory_space<hbm>>) dst(%dma_wait3A_44 : memref<1568xi32, #tpu.memory_space<vmem>>)
      %add3A_46 = arith.constant 1568 : i32
      %add3A_47 = arith.addi %mul3A_2, %add3A_46 : i32
      %dma_start3A_48 = arith.constant 1568 : i32
      %dma_start3A_49 = tpu.memref_slice %arg5[%dma_start3A_48] : memref<3136xf32, #tpu.memory_space<vmem>> -> memref<1568xf32, #tpu.memory_space<vmem>>
      %dma_start3A_50 = tpu.memref_slice %arg2[%add3A_47] : memref<100000xf32, #tpu.memory_space<hbm>> -> memref<1568xf32, #tpu.memory_space<hbm>>
      %dma_start3A_51 = arith.constant 1568 : i32
      %dma_start3A_52 = tpu.memref_slice %arg5[%dma_start3A_51] : memref<3136xf32, #tpu.memory_space<vmem>> -> memref<1568xf32, #tpu.memory_space<vmem>>
      %dma_start3A_53 = tpu.memref_slice %arg2[%add3A_47] : memref<100000xf32, #tpu.memory_space<hbm>> -> memref<1568xf32, #tpu.memory_space<hbm>>
      tpu.enqueue_dma source(%dma_start3A_53 : memref<1568xf32, #tpu.memory_space<hbm>>) target(%dma_start3A_52 : memref<1568xf32, #tpu.memory_space<vmem>>) target_semaphore(%arg11 : memref<!tpu.dma_semaphore, #tpu.memory_space<semaphore_mem>>)
      %add3A_54 = arith.constant 1568 : i32
      %add3A_55 = arith.addi %mul3A_2, %add3A_54 : i32
      %dma_start3A_56 = arith.constant 1568 : i32
      %dma_start3A_57 = tpu.memref_slice %arg6[%dma_start3A_56] : memref<3152xi32, #tpu.memory_space<vmem>> -> memref<1568xi32, #tpu.memory_space<vmem>>
      %dma_start3A_58 = tpu.memref_slice %arg3[%add3A_55] : memref<100000xi32, #tpu.memory_space<hbm>> -> memref<1568xi32, #tpu.memory_space<hbm>>
      %dma_start3A_59 = arith.constant 1568 : i32
      %dma_start3A_60 = tpu.memref_slice %arg6[%dma_start3A_59] : memref<3152xi32, #tpu.memory_space<vmem>> -> memref<1568xi32, #tpu.memory_space<vmem>>
      %dma_start3A_61 = tpu.memref_slice %arg3[%add3A_55] : memref<100000xi32, #tpu.memory_space<hbm>> -> memref<1568xi32, #tpu.memory_space<hbm>>
      tpu.enqueue_dma source(%dma_start3A_61 : memref<1568xi32, #tpu.memory_space<hbm>>) target(%dma_start3A_60 : memref<1568xi32, #tpu.memory_space<vmem>>) target_semaphore(%arg12 : memref<!tpu.dma_semaphore, #tpu.memory_space<semaphore_mem>>)
      %parallel_loop3A = arith.constant 0 : i32
      %parallel_loop3A_62 = arith.constant 1568 : i32
      %parallel_loop3A_63 = arith.constant 16 : i32
      scf.for %parallel_loop3A_79 = %parallel_loop3A to %parallel_loop3A_62 step %parallel_loop3A_63  : i32 {
        %parallel_loop3A_80 = arith.index_cast %parallel_loop3A_79 : i32 to index
        %parallel_loop3A_81 = tpu.vector_load %arg6[%parallel_loop3A_80] {strides = array<i32>} : memref<3152xi32, #tpu.memory_space<vmem>>, vector<16xi32>,
        %parallel_loop3A_82 = arith.index_cast %parallel_loop3A_79 : i32 to index
        %parallel_loop3A_83 = tpu.vector_load %arg5[%parallel_loop3A_82] {strides = array<i32>} : memref<3136xf32, #tpu.memory_space<vmem>>, vector<16xf32>,
        %parallel_loop3A_84 = arith.constant 1 : i32
        %parallel_loop3A_85 = arith.addi %parallel_loop3A_79, %parallel_loop3A_84 : i32
        %parallel_loop3A_86 = arith.index_cast %parallel_loop3A_85 : i32 to index
        %parallel_loop3A_87 = tpu.vector_load %arg6[%parallel_loop3A_86] {strides = array<i32>} : memref<3152xi32, #tpu.memory_space<vmem>>, vector<16xi32>,
        %parallel_loop3A_88 = arith.constant true
        %parallel_loop3A_89 = vector.broadcast %parallel_loop3A_88 : i1 to vector<16xi1>
        %parallel_loop3A_90 = tpu.scan <sum>, %parallel_loop3A_83 masked %parallel_loop3A_89 : vector<16xf32>, vector<16xi1> -> vector<16xf32>
        %parallel_loop3A_91 = arith.cmpi ne, %parallel_loop3A_81, %parallel_loop3A_87 : vector<16xi32>
        %parallel_loop3A_92 = arith.ori %parallel_loop3A_91, %not3A_7 : vector<16xi1>
        tpu.vector_store_idx %arg7[%parallel_loop3A_81], %parallel_loop3A_90 masked %parallel_loop3A_92 {add = true} : memref<512xf32, #tpu.memory_space<vmem>>[vector<16xi32>], vector<16xf32>, vector<16xi1>
        %parallel_loop3A_93 = arith.constant 0.000000e+00 : f32
        %parallel_loop3A_94 = vector.broadcast %parallel_loop3A_93 : f32 to vector<16xf32>
        %parallel_loop3A_95 = arith.subf %parallel_loop3A_94, %parallel_loop3A_90 : vector<16xf32>
        %parallel_loop3A_96 = arith.andi %parallel_loop3A_91, %lt3A_6 : vector<16xi1>
        tpu.vector_store_idx %arg7[%parallel_loop3A_87], %parallel_loop3A_95 masked %parallel_loop3A_96 {add = true} : memref<512xf32, #tpu.memory_space<vmem>>[vector<16xi32>], vector<16xf32>, vector<16xi1>
      } {sc.loop_unroll_factor = 4 : i64, sc.parallel_access}
      %dma_wait3A_64 = arith.constant 1568 : i32
      %dma_wait3A_65 = tpu.memref_slice %arg5[%dma_wait3A_64] : memref<3136xf32, #tpu.memory_space<vmem>> -> memref<1568xf32, #tpu.memory_space<vmem>>
      %dma_wait3A_66 = tpu.memref_slice %arg2[%add3A_47] : memref<100000xf32, #tpu.memory_space<hbm>> -> memref<1568xf32, #tpu.memory_space<hbm>>
      %dma_wait3A_67 = arith.constant 1568 : i32
      %dma_wait3A_68 = tpu.memref_slice %arg5[%dma_wait3A_67] : memref<3136xf32, #tpu.memory_space<vmem>> -> memref<1568xf32, #tpu.memory_space<vmem>>
      %dma_wait3A_69 = tpu.memref_slice %arg2[%add3A_47] : memref<100000xf32, #tpu.memory_space<hbm>> -> memref<1568xf32, #tpu.memory_space<hbm>>
      tpu.wait_dma2 semaphore(%arg11 : memref<!tpu.dma_semaphore, #tpu.memory_space<semaphore_mem>>) src(%dma_wait3A_69 : memref<1568xf32, #tpu.memory_space<hbm>>) dst(%dma_wait3A_68 : memref<1568xf32, #tpu.memory_space<vmem>>)
      %dma_wait3A_70 = arith.constant 1568 : i32
      %dma_wait3A_71 = tpu.memref_slice %arg6[%dma_wait3A_70] : memref<3152xi32, #tpu.memory_space<vmem>> -> memref<1568xi32, #tpu.memory_space<vmem>>
      %dma_wait3A_72 = tpu.memref_slice %arg3[%add3A_55] : memref<100000xi32, #tpu.memory_space<hbm>> -> memref<1568xi32, #tpu.memory_space<hbm>>
      %dma_wait3A_73 = arith.constant 1568 : i32
      %dma_wait3A_74 = tpu.memref_slice %arg6[%dma_wait3A_73] : memref<3152xi32, #tpu.memory_space<vmem>> -> memref<1568xi32, #tpu.memory_space<vmem>>
      %dma_wait3A_75 = tpu.memref_slice %arg3[%add3A_55] : memref<100000xi32, #tpu.memory_space<hbm>> -> memref<1568xi32, #tpu.memory_space<hbm>>
      tpu.wait_dma2 semaphore(%arg12 : memref<!tpu.dma_semaphore, #tpu.memory_space<semaphore_mem>>) src(%dma_wait3A_75 : memref<1568xi32, #tpu.memory_space<hbm>>) dst(%dma_wait3A_74 : memref<1568xi32, #tpu.memory_space<vmem>>)
      %parallel_loop3A_76 = arith.constant 1568 : i32
      %parallel_loop3A_77 = arith.constant 3136 : i32
      %parallel_loop3A_78 = arith.constant 16 : i32
      scf.for %parallel_loop3A_79 = %parallel_loop3A_76 to %parallel_loop3A_77 step %parallel_loop3A_78  : i32 {
        %parallel_loop3A_80 = arith.index_cast %parallel_loop3A_79 : i32 to index
        %parallel_loop3A_81 = tpu.vector_load %arg6[%parallel_loop3A_80] {strides = array<i32>} : memref<3152xi32, #tpu.memory_space<vmem>>, vector<16xi32>,
        %parallel_loop3A_82 = arith.index_cast %parallel_loop3A_79 : i32 to index
        %parallel_loop3A_83 = tpu.vector_load %arg5[%parallel_loop3A_82] {strides = array<i32>} : memref<3136xf32, #tpu.memory_space<vmem>>, vector<16xf32>,
        %parallel_loop3A_84 = arith.constant 1 : i32
        %parallel_loop3A_85 = arith.addi %parallel_loop3A_79, %parallel_loop3A_84 : i32
        %parallel_loop3A_86 = arith.index_cast %parallel_loop3A_85 : i32 to index
        %parallel_loop3A_87 = tpu.vector_load %arg6[%parallel_loop3A_86] {strides = array<i32>} : memref<3152xi32, #tpu.memory_space<vmem>>, vector<16xi32>,
        %parallel_loop3A_88 = arith.constant true
        %parallel_loop3A_89 = vector.broadcast %parallel_loop3A_88 : i1 to vector<16xi1>
        %parallel_loop3A_90 = tpu.scan <sum>, %parallel_loop3A_83 masked %parallel_loop3A_89 : vector<16xf32>, vector<16xi1> -> vector<16xf32>
        %parallel_loop3A_91 = arith.cmpi ne, %parallel_loop3A_81, %parallel_loop3A_87 : vector<16xi32>
        %parallel_loop3A_92 = arith.ori %parallel_loop3A_91, %not3A_7 : vector<16xi1>
        tpu.vector_store_idx %arg7[%parallel_loop3A_81], %parallel_loop3A_90 masked %parallel_loop3A_92 {add = true} : memref<512xf32, #tpu.memory_space<vmem>>[vector<16xi32>], vector<16xf32>, vector<16xi1>
        %parallel_loop3A_93 = arith.constant 0.000000e+00 : f32
        %parallel_loop3A_94 = vector.broadcast %parallel_loop3A_93 : f32 to vector<16xf32>
        %parallel_loop3A_95 = arith.subf %parallel_loop3A_94, %parallel_loop3A_90 : vector<16xf32>
        %parallel_loop3A_96 = arith.andi %parallel_loop3A_91, %lt3A_6 : vector<16xi1>
        tpu.vector_store_idx %arg7[%parallel_loop3A_87], %parallel_loop3A_95 masked %parallel_loop3A_96 {add = true} : memref<512xf32, #tpu.memory_space<vmem>>[vector<16xi32>], vector<16xf32>, vector<16xi1>
      } {sc.loop_unroll_factor = 4 : i64, sc.parallel_access}
    } else {
    }
    %convert_element_type3A_11 = arith.extui %eq3A_3 : i1 to i32
    %cond3A_12 = arith.constant 0 : i32
    %cond3A_13 = arith.cmpi ne, %convert_element_type3A_11, %cond3A_12 : i32
    scf.if %cond3A_13 {
      %dma_start3A = arith.constant 0 : i32
      %dma_start3A_19 = tpu.memref_slice %arg5[%dma_start3A] : memref<3136xf32, #tpu.memory_space<vmem>> -> memref<1392xf32, #tpu.memory_space<vmem>>
      %dma_start3A_20 = tpu.memref_slice %arg2[%mul3A_2] : memref<100000xf32, #tpu.memory_space<hbm>> -> memref<1392xf32, #tpu.memory_space<hbm>>
      %dma_start3A_21 = arith.constant 0 : i32
      %dma_start3A_22 = tpu.memref_slice %arg5[%dma_start3A_21] : memref<3136xf32, #tpu.memory_space<vmem>> -> memref<1392xf32, #tpu.memory_space<vmem>>
      %dma_start3A_23 = tpu.memref_slice %arg2[%mul3A_2] : memref<100000xf32, #tpu.memory_space<hbm>> -> memref<1392xf32, #tpu.memory_space<hbm>>
      tpu.enqueue_dma source(%dma_start3A_23 : memref<1392xf32, #tpu.memory_space<hbm>>) target(%dma_start3A_22 : memref<1392xf32, #tpu.memory_space<vmem>>) target_semaphore(%arg11 : memref<!tpu.dma_semaphore, #tpu.memory_space<semaphore_mem>>)
      %dma_start3A_24 = arith.constant 0 : i32
      %dma_start3A_25 = tpu.memref_slice %arg6[%dma_start3A_24] : memref<3152xi32, #tpu.memory_space<vmem>> -> memref<1392xi32, #tpu.memory_space<vmem>>
      %dma_start3A_26 = tpu.memref_slice %arg3[%mul3A_2] : memref<100000xi32, #tpu.memory_space<hbm>> -> memref<1392xi32, #tpu.memory_space<hbm>>
      %dma_start3A_27 = arith.constant 0 : i32
      %dma_start3A_28 = tpu.memref_slice %arg6[%dma_start3A_27] : memref<3152xi32, #tpu.memory_space<vmem>> -> memref<1392xi32, #tpu.memory_space<vmem>>
      %dma_start3A_29 = tpu.memref_slice %arg3[%mul3A_2] : memref<100000xi32, #tpu.memory_space<hbm>> -> memref<1392xi32, #tpu.memory_space<hbm>>
      tpu.enqueue_dma source(%dma_start3A_29 : memref<1392xi32, #tpu.memory_space<hbm>>) target(%dma_start3A_28 : memref<1392xi32, #tpu.memory_space<vmem>>) target_semaphore(%arg12 : memref<!tpu.dma_semaphore, #tpu.memory_space<semaphore_mem>>)
      %scan3A = arith.constant 0 : i32
      %scan3A_30 = arith.constant 0 : i32
      %scan3A_31 = arith.constant 32 : i32
      %scan3A_32 = arith.addi %scan3A_30, %scan3A_31 : i32
      %scan3A_33 = arith.constant 1 : i32
      scf.for %scan3A_79 = %scan3A_30 to %scan3A_32 step %scan3A_33  : i32 {
        %mul3A_80 = arith.constant 16 : i32
        %mul3A_81 = arith.muli %scan3A_79, %mul3A_80 : i32
        %swap3A = arith.index_cast %mul3A_81 : i32 to index
        %swap3A_82 = tpu.vector_load %arg7[%swap3A] {strides = array<i32>} : memref<512xf32, #tpu.memory_space<vmem>>, vector<16xf32>,
        tpu.vector_store %arg7[%swap3A], %broadcast_in_dim3A_4 {strides = array<i32>} : memref<512xf32, #tpu.memory_space<vmem>>, vector<16xf32>,
      }
      %scan3A_34 = arith.constant 32 : i32
      %dma_wait3A = arith.constant 0 : i32
      %dma_wait3A_35 = tpu.memref_slice %arg5[%dma_wait3A] : memref<3136xf32, #tpu.memory_space<vmem>> -> memref<1392xf32, #tpu.memory_space<vmem>>
      %dma_wait3A_36 = tpu.memref_slice %arg2[%mul3A_2] : memref<100000xf32, #tpu.memory_space<hbm>> -> memref<1392xf32, #tpu.memory_space<hbm>>
      %dma_wait3A_37 = arith.constant 0 : i32
      %dma_wait3A_38 = tpu.memref_slice %arg5[%dma_wait3A_37] : memref<3136xf32, #tpu.memory_space<vmem>> -> memref<1392xf32, #tpu.memory_space<vmem>>
      %dma_wait3A_39 = tpu.memref_slice %arg2[%mul3A_2] : memref<100000xf32, #tpu.memory_space<hbm>> -> memref<1392xf32, #tpu.memory_space<hbm>>
      tpu.wait_dma2 semaphore(%arg11 : memref<!tpu.dma_semaphore, #tpu.memory_space<semaphore_mem>>) src(%dma_wait3A_39 : memref<1392xf32, #tpu.memory_space<hbm>>) dst(%dma_wait3A_38 : memref<1392xf32, #tpu.memory_space<vmem>>)
      %dma_wait3A_40 = arith.constant 0 : i32
      %dma_wait3A_41 = tpu.memref_slice %arg6[%dma_wait3A_40] : memref<3152xi32, #tpu.memory_space<vmem>> -> memref<1392xi32, #tpu.memory_space<vmem>>
      %dma_wait3A_42 = tpu.memref_slice %arg3[%mul3A_2] : memref<100000xi32, #tpu.memory_space<hbm>> -> memref<1392xi32, #tpu.memory_space<hbm>>
      %dma_wait3A_43 = arith.constant 0 : i32
      %dma_wait3A_44 = tpu.memref_slice %arg6[%dma_wait3A_43] : memref<3152xi32, #tpu.memory_space<vmem>> -> memref<1392xi32, #tpu.memory_space<vmem>>
      %dma_wait3A_45 = tpu.memref_slice %arg3[%mul3A_2] : memref<100000xi32, #tpu.memory_space<hbm>> -> memref<1392xi32, #tpu.memory_space<hbm>>
      tpu.wait_dma2 semaphore(%arg12 : memref<!tpu.dma_semaphore, #tpu.memory_space<semaphore_mem>>) src(%dma_wait3A_45 : memref<1392xi32, #tpu.memory_space<hbm>>) dst(%dma_wait3A_44 : memref<1392xi32, #tpu.memory_space<vmem>>)
      %add3A_46 = arith.constant 1392 : i32
      %add3A_47 = arith.addi %mul3A_2, %add3A_46 : i32
      %dma_start3A_48 = arith.constant 1392 : i32
      %dma_start3A_49 = tpu.memref_slice %arg5[%dma_start3A_48] : memref<3136xf32, #tpu.memory_space<vmem>> -> memref<1392xf32, #tpu.memory_space<vmem>>
      %dma_start3A_50 = tpu.memref_slice %arg2[%add3A_47] : memref<100000xf32, #tpu.memory_space<hbm>> -> memref<1392xf32, #tpu.memory_space<hbm>>
      %dma_start3A_51 = arith.constant 1392 : i32
      %dma_start3A_52 = tpu.memref_slice %arg5[%dma_start3A_51] : memref<3136xf32, #tpu.memory_space<vmem>> -> memref<1392xf32, #tpu.memory_space<vmem>>
      %dma_start3A_53 = tpu.memref_slice %arg2[%add3A_47] : memref<100000xf32, #tpu.memory_space<hbm>> -> memref<1392xf32, #tpu.memory_space<hbm>>
      tpu.enqueue_dma source(%dma_start3A_53 : memref<1392xf32, #tpu.memory_space<hbm>>) target(%dma_start3A_52 : memref<1392xf32, #tpu.memory_space<vmem>>) target_semaphore(%arg11 : memref<!tpu.dma_semaphore, #tpu.memory_space<semaphore_mem>>)
      %add3A_54 = arith.constant 1392 : i32
      %add3A_55 = arith.addi %mul3A_2, %add3A_54 : i32
      %dma_start3A_56 = arith.constant 1392 : i32
      %dma_start3A_57 = tpu.memref_slice %arg6[%dma_start3A_56] : memref<3152xi32, #tpu.memory_space<vmem>> -> memref<1392xi32, #tpu.memory_space<vmem>>
      %dma_start3A_58 = tpu.memref_slice %arg3[%add3A_55] : memref<100000xi32, #tpu.memory_space<hbm>> -> memref<1392xi32, #tpu.memory_space<hbm>>
      %dma_start3A_59 = arith.constant 1392 : i32
      %dma_start3A_60 = tpu.memref_slice %arg6[%dma_start3A_59] : memref<3152xi32, #tpu.memory_space<vmem>> -> memref<1392xi32, #tpu.memory_space<vmem>>
      %dma_start3A_61 = tpu.memref_slice %arg3[%add3A_55] : memref<100000xi32, #tpu.memory_space<hbm>> -> memref<1392xi32, #tpu.memory_space<hbm>>
      tpu.enqueue_dma source(%dma_start3A_61 : memref<1392xi32, #tpu.memory_space<hbm>>) target(%dma_start3A_60 : memref<1392xi32, #tpu.memory_space<vmem>>) target_semaphore(%arg12 : memref<!tpu.dma_semaphore, #tpu.memory_space<semaphore_mem>>)
      %parallel_loop3A = arith.constant 0 : i32
      %parallel_loop3A_62 = arith.constant 1392 : i32
      %parallel_loop3A_63 = arith.constant 16 : i32
      scf.for %parallel_loop3A_79 = %parallel_loop3A to %parallel_loop3A_62 step %parallel_loop3A_63  : i32 {
        %parallel_loop3A_80 = arith.index_cast %parallel_loop3A_79 : i32 to index
        %parallel_loop3A_81 = tpu.vector_load %arg6[%parallel_loop3A_80] {strides = array<i32>} : memref<3152xi32, #tpu.memory_space<vmem>>, vector<16xi32>,
        %parallel_loop3A_82 = arith.index_cast %parallel_loop3A_79 : i32 to index
        %parallel_loop3A_83 = tpu.vector_load %arg5[%parallel_loop3A_82] {strides = array<i32>} : memref<3136xf32, #tpu.memory_space<vmem>>, vector<16xf32>,
        %parallel_loop3A_84 = arith.constant 1 : i32
        %parallel_loop3A_85 = arith.addi %parallel_loop3A_79, %parallel_loop3A_84 : i32
        %parallel_loop3A_86 = arith.index_cast %parallel_loop3A_85 : i32 to index
        %parallel_loop3A_87 = tpu.vector_load %arg6[%parallel_loop3A_86] {strides = array<i32>} : memref<3152xi32, #tpu.memory_space<vmem>>, vector<16xi32>,
        %parallel_loop3A_88 = arith.constant true
        %parallel_loop3A_89 = vector.broadcast %parallel_loop3A_88 : i1 to vector<16xi1>
        %parallel_loop3A_90 = tpu.scan <sum>, %parallel_loop3A_83 masked %parallel_loop3A_89 : vector<16xf32>, vector<16xi1> -> vector<16xf32>
        %parallel_loop3A_91 = arith.cmpi ne, %parallel_loop3A_81, %parallel_loop3A_87 : vector<16xi32>
        %parallel_loop3A_92 = arith.ori %parallel_loop3A_91, %not3A_7 : vector<16xi1>
        tpu.vector_store_idx %arg7[%parallel_loop3A_81], %parallel_loop3A_90 masked %parallel_loop3A_92 {add = true} : memref<512xf32, #tpu.memory_space<vmem>>[vector<16xi32>], vector<16xf32>, vector<16xi1>
        %parallel_loop3A_93 = arith.constant 0.000000e+00 : f32
        %parallel_loop3A_94 = vector.broadcast %parallel_loop3A_93 : f32 to vector<16xf32>
        %parallel_loop3A_95 = arith.subf %parallel_loop3A_94, %parallel_loop3A_90 : vector<16xf32>
        %parallel_loop3A_96 = arith.andi %parallel_loop3A_91, %lt3A_6 : vector<16xi1>
        tpu.vector_store_idx %arg7[%parallel_loop3A_87], %parallel_loop3A_95 masked %parallel_loop3A_96 {add = true} : memref<512xf32, #tpu.memory_space<vmem>>[vector<16xi32>], vector<16xf32>, vector<16xi1>
      } {sc.loop_unroll_factor = 4 : i64, sc.parallel_access}
      %dma_wait3A_64 = arith.constant 1392 : i32
      %dma_wait3A_65 = tpu.memref_slice %arg5[%dma_wait3A_64] : memref<3136xf32, #tpu.memory_space<vmem>> -> memref<1392xf32, #tpu.memory_space<vmem>>
      %dma_wait3A_66 = tpu.memref_slice %arg2[%add3A_47] : memref<100000xf32, #tpu.memory_space<hbm>> -> memref<1392xf32, #tpu.memory_space<hbm>>
      %dma_wait3A_67 = arith.constant 1392 : i32
      %dma_wait3A_68 = tpu.memref_slice %arg5[%dma_wait3A_67] : memref<3136xf32, #tpu.memory_space<vmem>> -> memref<1392xf32, #tpu.memory_space<vmem>>
      %dma_wait3A_69 = tpu.memref_slice %arg2[%add3A_47] : memref<100000xf32, #tpu.memory_space<hbm>> -> memref<1392xf32, #tpu.memory_space<hbm>>
      tpu.wait_dma2 semaphore(%arg11 : memref<!tpu.dma_semaphore, #tpu.memory_space<semaphore_mem>>) src(%dma_wait3A_69 : memref<1392xf32, #tpu.memory_space<hbm>>) dst(%dma_wait3A_68 : memref<1392xf32, #tpu.memory_space<vmem>>)
      %dma_wait3A_70 = arith.constant 1392 : i32
      %dma_wait3A_71 = tpu.memref_slice %arg6[%dma_wait3A_70] : memref<3152xi32, #tpu.memory_space<vmem>> -> memref<1392xi32, #tpu.memory_space<vmem>>
      %dma_wait3A_72 = tpu.memref_slice %arg3[%add3A_55] : memref<100000xi32, #tpu.memory_space<hbm>> -> memref<1392xi32, #tpu.memory_space<hbm>>
      %dma_wait3A_73 = arith.constant 1392 : i32
      %dma_wait3A_74 = tpu.memref_slice %arg6[%dma_wait3A_73] : memref<3152xi32, #tpu.memory_space<vmem>> -> memref<1392xi32, #tpu.memory_space<vmem>>
      %dma_wait3A_75 = tpu.memref_slice %arg3[%add3A_55] : memref<100000xi32, #tpu.memory_space<hbm>> -> memref<1392xi32, #tpu.memory_space<hbm>>
      tpu.wait_dma2 semaphore(%arg12 : memref<!tpu.dma_semaphore, #tpu.memory_space<semaphore_mem>>) src(%dma_wait3A_75 : memref<1392xi32, #tpu.memory_space<hbm>>) dst(%dma_wait3A_74 : memref<1392xi32, #tpu.memory_space<vmem>>)
      %parallel_loop3A_76 = arith.constant 1392 : i32
      %parallel_loop3A_77 = arith.constant 2784 : i32
      %parallel_loop3A_78 = arith.constant 16 : i32
      scf.for %parallel_loop3A_79 = %parallel_loop3A_76 to %parallel_loop3A_77 step %parallel_loop3A_78  : i32 {
        %parallel_loop3A_80 = arith.index_cast %parallel_loop3A_79 : i32 to index
        %parallel_loop3A_81 = tpu.vector_load %arg6[%parallel_loop3A_80] {strides = array<i32>} : memref<3152xi32, #tpu.memory_space<vmem>>, vector<16xi32>,
        %parallel_loop3A_82 = arith.index_cast %parallel_loop3A_79 : i32 to index
        %parallel_loop3A_83 = tpu.vector_load %arg5[%parallel_loop3A_82] {strides = array<i32>} : memref<3136xf32, #tpu.memory_space<vmem>>, vector<16xf32>,
        %parallel_loop3A_84 = arith.constant 1 : i32
        %parallel_loop3A_85 = arith.addi %parallel_loop3A_79, %parallel_loop3A_84 : i32
        %parallel_loop3A_86 = arith.index_cast %parallel_loop3A_85 : i32 to index
        %parallel_loop3A_87 = tpu.vector_load %arg6[%parallel_loop3A_86] {strides = array<i32>} : memref<3152xi32, #tpu.memory_space<vmem>>, vector<16xi32>,
        %parallel_loop3A_88 = arith.constant true
        %parallel_loop3A_89 = vector.broadcast %parallel_loop3A_88 : i1 to vector<16xi1>
        %parallel_loop3A_90 = tpu.scan <sum>, %parallel_loop3A_83 masked %parallel_loop3A_89 : vector<16xf32>, vector<16xi1> -> vector<16xf32>
        %parallel_loop3A_91 = arith.cmpi ne, %parallel_loop3A_81, %parallel_loop3A_87 : vector<16xi32>
        %parallel_loop3A_92 = arith.ori %parallel_loop3A_91, %not3A_7 : vector<16xi1>
        tpu.vector_store_idx %arg7[%parallel_loop3A_81], %parallel_loop3A_90 masked %parallel_loop3A_92 {add = true} : memref<512xf32, #tpu.memory_space<vmem>>[vector<16xi32>], vector<16xf32>, vector<16xi1>
        %parallel_loop3A_93 = arith.constant 0.000000e+00 : f32
        %parallel_loop3A_94 = vector.broadcast %parallel_loop3A_93 : f32 to vector<16xf32>
        %parallel_loop3A_95 = arith.subf %parallel_loop3A_94, %parallel_loop3A_90 : vector<16xf32>
        %parallel_loop3A_96 = arith.andi %parallel_loop3A_91, %lt3A_6 : vector<16xi1>
        tpu.vector_store_idx %arg7[%parallel_loop3A_87], %parallel_loop3A_95 masked %parallel_loop3A_96 {add = true} : memref<512xf32, #tpu.memory_space<vmem>>[vector<16xi32>], vector<16xf32>, vector<16xi1>
      } {sc.loop_unroll_factor = 4 : i64, sc.parallel_access}
    } else {
    }
    "tpu.region"() ({
      %run_scoped3A = tpu.sem_alloc : memref<!tpu.dma_semaphore, #tpu.memory_space<semaphore_mem>>
      %dma_start3A = arith.constant 0 : i32
      %dma_start3A_19 = tpu.memref_slice %arg10[%arg1, %dma_start3A] : memref<16x512xf32, #tpu.memory_space<vmem_shared>> -> memref<1x512xf32, #tpu.memory_space<vmem_shared>>
      %dma_start3A_20 = tpu.memref_squeeze %dma_start3A_19 : memref<1x512xf32, #tpu.memory_space<vmem_shared>> -> memref<512xf32, #tpu.memory_space<vmem_shared>>
      %dma_start3A_21 = arith.constant 0 : i32
      %dma_start3A_22 = tpu.memref_slice %arg10[%arg1, %dma_start3A_21] : memref<16x512xf32, #tpu.memory_space<vmem_shared>> -> memref<1x512xf32, #tpu.memory_space<vmem_shared>>
      %dma_start3A_23 = tpu.memref_squeeze %dma_start3A_22 : memref<1x512xf32, #tpu.memory_space<vmem_shared>> -> memref<512xf32, #tpu.memory_space<vmem_shared>>
      tpu.enqueue_dma source(%arg7 : memref<512xf32, #tpu.memory_space<vmem>>) target(%dma_start3A_23 : memref<512xf32, #tpu.memory_space<vmem_shared>>) target_semaphore(%run_scoped3A : memref<!tpu.dma_semaphore, #tpu.memory_space<semaphore_mem>>)
      %dma_wait3A = arith.constant 0 : i32
      %dma_wait3A_24 = tpu.memref_slice %arg10[%arg1, %dma_wait3A] : memref<16x512xf32, #tpu.memory_space<vmem_shared>> -> memref<1x512xf32, #tpu.memory_space<vmem_shared>>
      %dma_wait3A_25 = tpu.memref_squeeze %dma_wait3A_24 : memref<1x512xf32, #tpu.memory_space<vmem_shared>> -> memref<512xf32, #tpu.memory_space<vmem_shared>>
      %dma_wait3A_26 = arith.constant 0 : i32
      %dma_wait3A_27 = tpu.memref_slice %arg10[%arg1, %dma_wait3A_26] : memref<16x512xf32, #tpu.memory_space<vmem_shared>> -> memref<1x512xf32, #tpu.memory_space<vmem_shared>>
      %dma_wait3A_28 = tpu.memref_squeeze %dma_wait3A_27 : memref<1x512xf32, #tpu.memory_space<vmem_shared>> -> memref<512xf32, #tpu.memory_space<vmem_shared>>
      tpu.wait_dma2 semaphore(%run_scoped3A : memref<!tpu.dma_semaphore, #tpu.memory_space<semaphore_mem>>) src(%arg7 : memref<512xf32, #tpu.memory_space<vmem>>) dst(%dma_wait3A_28 : memref<512xf32, #tpu.memory_space<vmem_shared>>)
      tpu.yield
    }) : () -> ()
    %barrier3A = arith.constant 0 : index
    tpu.barrier barrier_id(%barrier3A)
    %lt3A_14 = arith.constant 4 : i32
    %lt3A_15 = arith.cmpi slt, %arg1, %lt3A_14 : i32
    %convert_element_type3A_16 = arith.extui %lt3A_15 : i1 to i32
    %cond3A_17 = arith.constant 0 : i32
    %cond3A_18 = arith.cmpi ne, %convert_element_type3A_16, %cond3A_17 : i32
    scf.if %cond3A_18 {
      %mul3A_19 = arith.constant 128 : i32
      %mul3A_20 = arith.muli %arg1, %mul3A_19 : i32
      "tpu.region"() ({
        %run_scoped3A = tpu.sem_alloc : memref<!tpu.dma_semaphore, #tpu.memory_space<semaphore_mem>>
        %dma_start3A = arith.constant 0 : i32
        %dma_start3A_41 = tpu.memref_slice %arg10[%dma_start3A, %mul3A_20] : memref<16x512xf32, #tpu.memory_space<vmem_shared>> -> memref<16x128xf32, #tpu.memory_space<vmem_shared>>
        %dma_start3A_42 = arith.constant 0 : i32
        %dma_start3A_43 = tpu.memref_slice %arg10[%dma_start3A_42, %mul3A_20] : memref<16x512xf32, #tpu.memory_space<vmem_shared>> -> memref<16x128xf32, #tpu.memory_space<vmem_shared>>
        tpu.enqueue_dma source(%dma_start3A_43 : memref<16x128xf32, #tpu.memory_space<vmem_shared>>) target(%arg8 : memref<16x128xf32, #tpu.memory_space<vmem>>) target_semaphore(%run_scoped3A : memref<!tpu.dma_semaphore, #tpu.memory_space<semaphore_mem>>)
        %dma_wait3A = arith.constant 0 : i32
        %dma_wait3A_44 = tpu.memref_slice %arg10[%dma_wait3A, %mul3A_20] : memref<16x512xf32, #tpu.memory_space<vmem_shared>> -> memref<16x128xf32, #tpu.memory_space<vmem_shared>>
        %dma_wait3A_45 = arith.constant 0 : i32
        %dma_wait3A_46 = tpu.memref_slice %arg10[%dma_wait3A_45, %mul3A_20] : memref<16x512xf32, #tpu.memory_space<vmem_shared>> -> memref<16x128xf32, #tpu.memory_space<vmem_shared>>
        tpu.wait_dma2 semaphore(%run_scoped3A : memref<!tpu.dma_semaphore, #tpu.memory_space<semaphore_mem>>) src(%dma_wait3A_46 : memref<16x128xf32, #tpu.memory_space<vmem_shared>>) dst(%arg8 : memref<16x128xf32, #tpu.memory_space<vmem>>)
        tpu.yield
      }) : () -> ()
      %scan3A = arith.constant 0 : i32
      %scan3A_21 = arith.constant 16 : i32
      %scan3A_22 = arith.addi %scan3A, %scan3A_21 : i32
      %scan3A_23 = arith.constant 1 : i32
      %scan3A_24:8 = scf.for %scan3A_41 = %scan3A to %scan3A_22 step %scan3A_23 iter_args(%scan3A_42 = %broadcast_in_dim3A_4, %scan3A_43 = %broadcast_in_dim3A_4, %scan3A_44 = %broadcast_in_dim3A_4, %scan3A_45 = %broadcast_in_dim3A_4, %scan3A_46 = %broadcast_in_dim3A_4, %scan3A_47 = %broadcast_in_dim3A_4, %scan3A_48 = %broadcast_in_dim3A_4, %scan3A_49 = %broadcast_in_dim3A_4) -> (vector<16xf32>, vector<16xf32>, vector<16xf32>, vector<16xf32>, vector<16xf32>, vector<16xf32>, vector<16xf32>, vector<16xf32>)  : i32 {
        %get3A = arith.index_cast %scan3A_41 : i32 to index
        %get3A_50 = arith.constant 0 : index
        %get3A_51 = tpu.vector_load %arg8[%get3A, %get3A_50] {strides = array<i32>} : memref<16x128xf32, #tpu.memory_space<vmem>>, vector<16xf32>,
        %add3A_52 = arith.addf %scan3A_42, %get3A_51 : vector<16xf32>
        %get3A_53 = arith.index_cast %scan3A_41 : i32 to index
        %get3A_54 = arith.constant 16 : index
        %get3A_55 = tpu.vector_load %arg8[%get3A_53, %get3A_54] {strides = array<i32>} : memref<16x128xf32, #tpu.memory_space<vmem>>, vector<16xf32>,
        %add3A_56 = arith.addf %scan3A_43, %get3A_55 : vector<16xf32>
        %get3A_57 = arith.index_cast %scan3A_41 : i32 to index
        %get3A_58 = arith.constant 32 : index
        %get3A_59 = tpu.vector_load %arg8[%get3A_57, %get3A_58] {strides = array<i32>} : memref<16x128xf32, #tpu.memory_space<vmem>>, vector<16xf32>,
        %add3A_60 = arith.addf %scan3A_44, %get3A_59 : vector<16xf32>
        %get3A_61 = arith.index_cast %scan3A_41 : i32 to index
        %get3A_62 = arith.constant 48 : index
        %get3A_63 = tpu.vector_load %arg8[%get3A_61, %get3A_62] {strides = array<i32>} : memref<16x128xf32, #tpu.memory_space<vmem>>, vector<16xf32>,
        %add3A_64 = arith.addf %scan3A_45, %get3A_63 : vector<16xf32>
        %get3A_65 = arith.index_cast %scan3A_41 : i32 to index
        %get3A_66 = arith.constant 64 : index
        %get3A_67 = tpu.vector_load %arg8[%get3A_65, %get3A_66] {strides = array<i32>} : memref<16x128xf32, #tpu.memory_space<vmem>>, vector<16xf32>,
        %add3A_68 = arith.addf %scan3A_46, %get3A_67 : vector<16xf32>
        %get3A_69 = arith.index_cast %scan3A_41 : i32 to index
        %get3A_70 = arith.constant 80 : index
        %get3A_71 = tpu.vector_load %arg8[%get3A_69, %get3A_70] {strides = array<i32>} : memref<16x128xf32, #tpu.memory_space<vmem>>, vector<16xf32>,
        %add3A_72 = arith.addf %scan3A_47, %get3A_71 : vector<16xf32>
        %get3A_73 = arith.index_cast %scan3A_41 : i32 to index
        %get3A_74 = arith.constant 96 : index
        %get3A_75 = tpu.vector_load %arg8[%get3A_73, %get3A_74] {strides = array<i32>} : memref<16x128xf32, #tpu.memory_space<vmem>>, vector<16xf32>,
        %add3A_76 = arith.addf %scan3A_48, %get3A_75 : vector<16xf32>
        %get3A_77 = arith.index_cast %scan3A_41 : i32 to index
        %get3A_78 = arith.constant 112 : index
        %get3A_79 = tpu.vector_load %arg8[%get3A_77, %get3A_78] {strides = array<i32>} : memref<16x128xf32, #tpu.memory_space<vmem>>, vector<16xf32>,
        %add3A_80 = arith.addf %scan3A_49, %get3A_79 : vector<16xf32>
        scf.yield %add3A_52, %add3A_56, %add3A_60, %add3A_64, %add3A_68, %add3A_72, %add3A_76, %add3A_80 : vector<16xf32>, vector<16xf32>, vector<16xf32>, vector<16xf32>, vector<16xf32>, vector<16xf32>, vector<16xf32>, vector<16xf32>
      }
      %scan3A_25 = arith.constant 16 : i32
      %swap3A = arith.constant 0 : index
      %swap3A_26 = tpu.vector_load %arg9[%swap3A] {strides = array<i32>} : memref<128xf32, #tpu.memory_space<vmem>>, vector<16xf32>,
      tpu.vector_store %arg9[%swap3A], %scan3A_24#0 {strides = array<i32>} : memref<128xf32, #tpu.memory_space<vmem>>, vector<16xf32>,
      %swap3A_27 = arith.constant 16 : index
      %swap3A_28 = tpu.vector_load %arg9[%swap3A_27] {strides = array<i32>} : memref<128xf32, #tpu.memory_space<vmem>>, vector<16xf32>,
      tpu.vector_store %arg9[%swap3A_27], %scan3A_24#1 {strides = array<i32>} : memref<128xf32, #tpu.memory_space<vmem>>, vector<16xf32>,
      %swap3A_29 = arith.constant 32 : index
      %swap3A_30 = tpu.vector_load %arg9[%swap3A_29] {strides = array<i32>} : memref<128xf32, #tpu.memory_space<vmem>>, vector<16xf32>,
      tpu.vector_store %arg9[%swap3A_29], %scan3A_24#2 {strides = array<i32>} : memref<128xf32, #tpu.memory_space<vmem>>, vector<16xf32>,
      %swap3A_31 = arith.constant 48 : index
      %swap3A_32 = tpu.vector_load %arg9[%swap3A_31] {strides = array<i32>} : memref<128xf32, #tpu.memory_space<vmem>>, vector<16xf32>,
      tpu.vector_store %arg9[%swap3A_31], %scan3A_24#3 {strides = array<i32>} : memref<128xf32, #tpu.memory_space<vmem>>, vector<16xf32>,
      %swap3A_33 = arith.constant 64 : index
      %swap3A_34 = tpu.vector_load %arg9[%swap3A_33] {strides = array<i32>} : memref<128xf32, #tpu.memory_space<vmem>>, vector<16xf32>,
      tpu.vector_store %arg9[%swap3A_33], %scan3A_24#4 {strides = array<i32>} : memref<128xf32, #tpu.memory_space<vmem>>, vector<16xf32>,
      %swap3A_35 = arith.constant 80 : index
      %swap3A_36 = tpu.vector_load %arg9[%swap3A_35] {strides = array<i32>} : memref<128xf32, #tpu.memory_space<vmem>>, vector<16xf32>,
      tpu.vector_store %arg9[%swap3A_35], %scan3A_24#5 {strides = array<i32>} : memref<128xf32, #tpu.memory_space<vmem>>, vector<16xf32>,
      %swap3A_37 = arith.constant 96 : index
      %swap3A_38 = tpu.vector_load %arg9[%swap3A_37] {strides = array<i32>} : memref<128xf32, #tpu.memory_space<vmem>>, vector<16xf32>,
      tpu.vector_store %arg9[%swap3A_37], %scan3A_24#6 {strides = array<i32>} : memref<128xf32, #tpu.memory_space<vmem>>, vector<16xf32>,
      %swap3A_39 = arith.constant 112 : index
      %swap3A_40 = tpu.vector_load %arg9[%swap3A_39] {strides = array<i32>} : memref<128xf32, #tpu.memory_space<vmem>>, vector<16xf32>,
      tpu.vector_store %arg9[%swap3A_39], %scan3A_24#7 {strides = array<i32>} : memref<128xf32, #tpu.memory_space<vmem>>, vector<16xf32>,
      "tpu.region"() ({
        %run_scoped3A = tpu.sem_alloc : memref<!tpu.dma_semaphore, #tpu.memory_space<semaphore_mem>>
        %dma_start3A = tpu.memref_slice %arg4[%arg0, %mul3A_20] : memref<2x512xf32, #tpu.memory_space<hbm>> -> memref<1x128xf32, #tpu.memory_space<hbm>>
        %dma_start3A_41 = tpu.memref_squeeze %dma_start3A : memref<1x128xf32, #tpu.memory_space<hbm>> -> memref<128xf32, #tpu.memory_space<hbm>>
        %dma_start3A_42 = tpu.memref_slice %arg4[%arg0, %mul3A_20] : memref<2x512xf32, #tpu.memory_space<hbm>> -> memref<1x128xf32, #tpu.memory_space<hbm>>
        %dma_start3A_43 = tpu.memref_squeeze %dma_start3A_42 : memref<1x128xf32, #tpu.memory_space<hbm>> -> memref<128xf32, #tpu.memory_space<hbm>>
        tpu.enqueue_dma source(%arg9 : memref<128xf32, #tpu.memory_space<vmem>>) target(%dma_start3A_43 : memref<128xf32, #tpu.memory_space<hbm>>) target_semaphore(%run_scoped3A : memref<!tpu.dma_semaphore, #tpu.memory_space<semaphore_mem>>)
        %dma_wait3A = tpu.memref_slice %arg4[%arg0, %mul3A_20] : memref<2x512xf32, #tpu.memory_space<hbm>> -> memref<1x128xf32, #tpu.memory_space<hbm>>
        %dma_wait3A_44 = tpu.memref_squeeze %dma_wait3A : memref<1x128xf32, #tpu.memory_space<hbm>> -> memref<128xf32, #tpu.memory_space<hbm>>
        %dma_wait3A_45 = tpu.memref_slice %arg4[%arg0, %mul3A_20] : memref<2x512xf32, #tpu.memory_space<hbm>> -> memref<1x128xf32, #tpu.memory_space<hbm>>
        %dma_wait3A_46 = tpu.memref_squeeze %dma_wait3A_45 : memref<1x128xf32, #tpu.memory_space<hbm>> -> memref<128xf32, #tpu.memory_space<hbm>>
        tpu.wait_dma2 semaphore(%run_scoped3A : memref<!tpu.dma_semaphore, #tpu.memory_space<semaphore_mem>>) src(%arg9 : memref<128xf32, #tpu.memory_space<vmem>>) dst(%dma_wait3A_46 : memref<128xf32, #tpu.memory_space<hbm>>)
        tpu.yield
      }) : () -> ()
    } else {
    }
    return
  }
}

</mosaic_0001>

<sc_bundles>
// kernel: kernel.3.cloned.1.call-start
scs
__scs_entry_jumppad:
0x0: {  	(pc) =	sbr.rel $0x88, $3  }
0x1: {  	(tag) =	ssettag $0x0;
	lr =	simm.s32 $0x1  }
0x2: {  	[smem:$0x3F9F] =	sst lr;
	_ =	strace $0xD0000000  }
0x3: {  	_ = 	snop  }
0x4: {  	_ = 	snop  }
0x5: {  	_ = 	snop  }
0x6: {  	_ = 	snop  }
0x7: {  	_ = 	snop  }
__scs_overlays_trampoline_lowered:
0x8: {  	[smem:$0x3FAE] =	sst s0  }
0x9: {  	[smem:$0x3FAF] =	sst s1  }
0xa: {  	[smem:$0x3FB0] =	sst s2  }
0xb: {  	[smem:$0x3FB1] =	sst s3  }
0xc: {  	[smem:$0x3FB2] =	sst s4  }
0xd: {  	[smem:$0x3FB3] =	sst s5  }
0xe: {  	[smem:$0x3FB4] =	sst s6  }
0xf: {  	[smem:$0x3FB5] =	sst s7  }
0x10: {  	[smem:$0x3FB6] =	sst s8  }
0x11: {  	[smem:$0x3FB7] =	sst s9;
	s0 =	simm.s32 @!p0 $0x0  }
0x12: {  	s1 =	sld [smem:$0x3F9D];
	s0 =	simm.s32 @p0 $0x1  }
0x13: {  	[smem:$0x3FB8] =	sst s0;
	s0 =	simm.s32 @!p1 $0x0  }
0x14: {  	s2 =	sld [smem:$0x3F9C];
	s0 =	simm.s32 @p1 $0x1  }
0x15: {  	[smem:$0x3FB9] =	sst s0;
	s0 =	simm.s32 @!p2 $0x0  }
0x16: {  	s3 =	sld [smem:$0x3FDB];
	s0 =	simm.s32 @p2 $0x1  }
0x17: {  	s4 =	simm.s32 $0x1BF5;
	[smem:$0x3FBB] =	sst s0  }
0x18: {  	s0 =	sld [smem:$0x3F9E];
	_ =	swait.ge [sflag:s4], $0x0  }
0x19: {  	s7 =	sld [smem:$0x3F9F]  }
0x1a: {  	s8 =	sadd.s32 $0xFFFFE003, lr  }
0x1b: {  	s9 =	sadd.s32 $0xFFFFFEF7, lr;
	s5 =	simm.s32 $0xFFFFFFFF;
	p2 =	slt.u32 s8, $0xFFFFF086  }
0x1c: {  	p1 =	slt.u32 s9, $0xF7A;
	s5 =	simm.s32 @!p2 $0x0  }
0x1d: {  	s5 =	simm.s32 @p1 $0x1;
	p0 =	seq.s32 s7, s2  }
0x1e: {  	s7 =	smul.u32 @!p0 $0xF7A, s2;
	p2 =	seq.s32 @!p0 s5, $0x0  }
0x1f: {  	s9 =	smul.u32 $0xF7A, s1;
	s8 =	simm.s32 @!p0 $0x1BF5;
	p2 =	por !p2, p0  }
0x20: {  	[sflag:s8] =	ssyncset.s32 @!p0 $0xFFFFF086;
	s6 =	sadd.s32 @!p0 s3, s7;
	s7 =	simm.s32 @!p0 $0x108  }
0x21: {  	s3 =	sadd.s32 s3, s9;
	s6 =	sadd.s32 @!p0 $0x88, s6;
	s7 =	simm.s32 @p2 $0x1082  }
0x22: {  	[simem:s7], [sflag:s8] =	dma.local @!p0 [hbm:s6], $0xF7A  }
0x23: {  	s9 =	sor.u32 $0xD0000000, s2;
	s6 =	simm.s32 $0x108;
	_ =	swait.ge @!p0 [sflag:s8], $0x0  }
0x24: {  	s3 =	sadd.s32 $0x88, s3;
	s6 =	simm.s32 @!p1 $0x1082;
	[sflag:s4] =	ssyncset.s32 $0xFFFFF086  }
0x25: {  	[simem:s6], [sflag:s4] =	dma.local [hbm:s3], $0xF7A  }
0x26: {  	[smem:$0x3F9F] =	sst s1;
	(tag) =	ssettag s2;
	_ =	strace s9  }
0x27: {  	s1 =	sld [smem:$0x3FAF]  }
0x28: {  	s2 =	sld [smem:$0x3FB0]  }
0x29: {  	s4 =	sld [smem:$0x3FB2]  }
0x2a: {  	p0 =	seq.s32 s5, $0x0;
	s5 =	sld [smem:$0x3FB3]  }
0x2b: {  	s6 =	sld [smem:$0x3FB4]  }
0x2c: {  	s7 =	sld [smem:$0x3FB5]  }
0x2d: {  	s3 =	simm.s32 $0x108;
	s8 =	sld [smem:$0x3FB6]  }
0x2e: {  	s3 =	simm.s32 @!p0 $0x1082;
	s9 =	sld [smem:$0x3FB7]  }
0x2f: {  	lr =	sadd.s32 s0, s3;
	s0 =	sld [smem:$0x3FAE]  }
0x30: {  	s3 =	sld [smem:$0x3FB1]  }
0x31: {  	[smem:$0x3FBA] =	sst s10  }
0x32: {  	s10 =	sld [smem:$0x3FB8];
	_ =	sdelay $0x3  }
0x33: {  	p0 =	seq.s32 s10, $0x1;
	s10 =	sld [smem:$0x3FBA];
	_ =	sdelay $0x3  }
0x34: {  	[smem:$0x3FBA] =	sst s10  }
0x35: {  	s10 =	sld [smem:$0x3FB9];
	_ =	sdelay $0x3  }
0x36: {  	p1 =	seq.s32 s10, $0x1;
	s10 =	sld [smem:$0x3FBA];
	_ =	sdelay $0x3  }
0x37: {  	[smem:$0x3FBA] =	sst s10  }
0x38: {  	s10 =	sld [smem:$0x3FBB]  }
0x39: {  	_ = 	snop;
	(pc) =	sbr.ind lr, $3  }
0x3a: {  	_ = 	snop  }
0x3b: {  	_ = 	snop  }
0x3c: {  	p2 =	seq.s32 s10, $0x1;
	s10 =	sld [smem:$0x3FBA]  }
0x3d: {  	_ =	shalt  }
0x3e: {  	_ =	shalt  }
0x3f: {  	_ =	shalt  }
0x40: {  	_ =	shalt  }
0x41: {  	_ =	shalt  }
0x42: {  	_ =	shalt  }
0x43: {  	_ =	shalt  }
0x44: {  	_ =	shalt  }
0x45: {  	_ =	shalt  }
0x46: {  	_ =	shalt  }
0x47: {  	_ =	shalt  }
0x48: {  	_ =	shalt  }
0x49: {  	_ =	shalt  }
0x4a: {  	_ =	shalt  }
0x4b: {  	_ =	shalt  }
0x4c: {  	_ =	shalt  }
0x4d: {  	_ =	shalt  }
0x4e: {  	_ =	shalt  }
0x4f: {  	_ =	shalt  }
0x50: {  	_ =	shalt  }
0x51: {  	_ =	shalt  }
0x52: {  	_ =	shalt  }
0x53: {  	_ =	shalt  }
0x54: {  	_ =	shalt  }
0x55: {  	_ =	shalt  }
0x56: {  	_ =	shalt  }
0x57: {  	_ =	shalt  }
0x58: {  	_ =	shalt  }
0x59: {  	_ =	shalt  }
0x5a: {  	_ =	shalt  }
0x5b: {  	_ =	shalt  }
0x5c: {  	_ =	shalt  }
0x5d: {  	_ =	shalt  }
0x5e: {  	_ =	shalt  }
0x5f: {  	_ =	shalt  }
0x60: {  	_ =	shalt  }
0x61: {  	_ =	shalt  }
0x62: {  	_ =	shalt  }
0x63: {  	_ =	shalt  }
0x64: {  	_ =	shalt  }
0x65: {  	_ =	shalt  }
0x66: {  	_ =	shalt  }
0x67: {  	_ =	shalt  }
0x68: {  	_ =	shalt  }
0x69: {  	_ =	shalt  }
0x6a: {  	_ =	shalt  }
0x6b: {  	_ =	shalt  }
0x6c: {  	_ =	shalt  }
0x6d: {  	_ =	shalt  }
0x6e: {  	_ =	shalt  }
0x6f: {  	_ =	shalt  }
0x70: {  	_ =	shalt  }
0x71: {  	_ =	shalt  }
0x72: {  	_ =	shalt  }
0x73: {  	_ =	shalt  }
0x74: {  	_ =	shalt  }
0x75: {  	_ =	shalt  }
0x76: {  	_ =	shalt  }
0x77: {  	_ =	shalt  }
0x78: {  	_ =	shalt  }
0x79: {  	_ =	shalt  }
0x7a: {  	_ =	shalt  }
0x7b: {  	_ =	shalt  }
0x7c: {  	_ =	shalt  }
0x7d: {  	_ =	shalt  }
0x7e: {  	_ =	shalt  }
0x7f: {  	_ =	shalt  }
0x80: {  	_ =	shalt  }
0x81: {  	_ =	shalt  }
0x82: {  	_ =	shalt  }
0x83: {  	_ =	shalt  }
0x84: {  	_ =	shalt  }
0x85: {  	_ =	shalt  }
0x86: {  	_ =	shalt  }
0x87: {  	_ =	shalt  }
.Lfunc_end0:
.L_simem_size_0:
called_computation_lowered:
.L_overlay_start_0:
0x88: {  	s2 =	sld [smem:$0x3FD9]  }
0x89: {  	s3 =	sld [smem:$0x3FFE];
	_ =	sdelay $0x1  }
0x8a: {  	s1 =	srdreg.scid  }
0x8b: {  	s0 =	sand.u32 $0x1, s1  }
0x8c: {  	s17 =	sshll.u32 s0, $0xA;
	s2 =	sadd.s32 s3, s2  }
0x8d: {  	s2 =	sadd.s32 s2, s17  }
0x8e: {  	[smem:$0x3FC6] =	sst s2  }
0x8f: {  	_ = 	snop  }
0x90: {  	s2 =	sld [smem:$0x3FC9]  }
0x91: {  	s18 =	sld [smem:$0x3FC8];
	(tm) =	ssettm $0x1  }
0x92: {  	s4 =	sld [smem:$0x3FFB];
	_ =	sdelay $0x3  }
0x93: {  	_ =	strace s4  }
0x94: {  	s4 =	sld [smem:$0x3FFC];
	_ =	sdelay $0x3  }
0x95: {  	_ =	strace s4  }
0x96: {  	s4 =	sld [smem:$0x3FFD];
	_ =	sdelay $0x3  }
0x97: {  	_ =	strace s4  }
0x98: {  	_ =	strace $0x8FFFFFFF  }
0x99: {  	s19 =	sld [smem:$0x3FDB];
	_ =	sdelay $0x1  }
0x9a: {  	s5 =	simm.s32 $_scs_section_size  }
0x9b: {  	s6 =	simm.s32 $_size__tile_overlayer_lowered;
	s7 =	simm.s32 $_tile_overlayer_lowered  }
0x9c: {  	s22 =	simm.s32 $0x1BFF;
	s21 =	sshll.u32 s7, $0x1;
	s4 =	sadd.s32 s5, s19  }
0x9d: {  	s8 =	simm.s32 $0x0;
	s20 =	sshll.u32 s6, $0x1;
	s6 =	sadd.s32 s21, s4  }
0x9e: {  	[timem:s8], [sflag:s22] =	dma.local [hbm:s6], s20  }
0x9f: {  	_ =	swait.ge [sflag:s22], s20  }
0xa0: {  	s5 =	ssub.s32 $0x0, s20;
	[sflag:s22] =	ssyncset.done $0x0  }
0xa1: {  	[sflag:s22] =	ssyncadd.s32 s5;
	_ =	sdelay $0x1  }
0xa2: {  	s23 =	simm.s32 $0x1B8B  }
0xa3: {  	_ =	swait.ge [sflag:s23], $0x1  }
0xa4: {  	[sflag:s23] =	ssyncset.done $0x0  }
0xa5: {  	s25 =	simm.s32 $0x1B8E;
	s24 =	sld [smem:$0x3FFE];
	[sflag:s23] =	ssyncadd.s32 $0xFFFFFFFF  }
0xa6: {  	s26 =	simm.s32 $execute0_lowered;
	[smem:$0x3FD2] =	sst s25  }
0xa7: {  	s6 =	sshll.u32 s26, $0x1;
	_ =	strace $0x80000046;
	[dreg:$0x1] =	wrdreg $0xFFFFFFFF  }
0xa8: {  	s28 =	simm.s32 $_size_execute0_lowered;
	s4 =	sadd.s32 s4, s6;
	[dreg:$0x0] =	wrdreg $0x0  }
0xa9: {  	s6 =	sshll.u32 s28, $0x1;
	[dreg:$0x2] =	wrdreg s4  }
0xaa: {  	[dreg:$0x3] =	wrdreg s6  }
0xab: {  	[dreg:$0x4] =	wrdreg $0xC0  }
0xac: {  	_ =	task [dreg:s8], $0x5FFFF  }
0xad: {  	[dreg:$0x1] =	wrdreg $0xFFFFFFFF  }
0xae: {  	[dreg:$0x0] =	wrdreg $0x60  }
0xaf: {  	[dreg:$0x2] =	wrdreg s2  }
0xb0: {  	[dreg:$0x3] =	wrdreg s18  }
0xb1: {  	[dreg:$0x4] =	wrdreg s24  }
0xb2: {  	[dreg:$0x5] =	wrdreg $0x23800  }
0xb3: {  	[dreg:$0x6] =	wrdreg $0x9  }
0xb4: {  	_ =	task.clear_ibuf [dreg:s8], $0x7FFFF;
	_ =	strace $0x90000046  }
0xb5: {  	s29 =	simm.s32 $0x9;
	_ =	strace $0x80000048  }
0xb6: {  	_ =	swait.ge [sflag:s29], $0x1  }
0xb7: {  	[sflag:s29] =	ssyncadd.s32 $0xFFFFFFFF  }
0xb8: {  	_ =	strace $0x90000048  }
0xb9: {  	_ =	sfence  }
0xba: {  	s30 =	sld [smem:$0x0];
	_ =	sdelay $0x2  }
0xbb: {  	s31 =	sshll.u32 s1, $0xD;
	s1 =	sshrl.u32 s1, $0x2  }
0xbc: {  	s3 =	sand.u32 $0x4000, s31;
	s1 =	sadd.s32 s1, s30  }
0xbd: {  	s0 =	sor.u32 s3, s0;
	s1 =	sshll.u32 s1, $0x11  }
0xbe: {  	s0 =	sor.u32 s1, s0  }
0xbf: {  	s0 =	sadd.s32 $0x8F2B, s0  }
0xc0: {  	[sflag:s0] =	ssyncadd.remote.s32 $0x1  }
0xc1: {  	_ =	sfence.sel $0xFFFF  }
0xc2: {  	[dreg:$0x0] =	wrdreg $0xFFFFFFFF;
	(pc) =	sbr.abs _section_cstart, $3  }
0xc3: {  	[dreg:$0x1] =	wrdreg $0xFFFFFFFF  }
0xc4: {  	_ =	task.clear_ibuf [dreg:s8], $0x2FFFF;
	_ =	strace $0x9FFFFFFF  }
0xc5: {  	(tm) =	ssettm $0x7FFFFFFF  }
tec
execute0_lowered:
.L_overlay_start_1:
0x0: {  	(tag) =	ssettag $0x1  }
0x1: {  	s0 =	rddreg [dreg:$0x0]  }
0x2: {  	s1 =	rddreg [dreg:$0x1]  }
0x3: {  	s3 =	rddreg [dreg:$0x2];
	s2 =	srdreg.scid  }
0x4: {  	s18 =	stileid.u32;
	s12 =	rddreg [dreg:$0x3];
	s17 =	simm.s32 $0x2  }
0x5: {  	s20 =	simm.s32 $0x1900;
	s21 =	simm.s32 $0x80;
	s22 =	simm.s32 $0x400  }
0x6: {  	s23 =	simm.s32 $0x3;
	s28 =	simm.s32 $0x620;
	s29 =	simm.s32 $0x12A0  }
0x7: {  	s30 =	simm.s32 $0x0;
	s4 =	sand.u32 $0x1, s2;
	s5 =	sshll.u32 s18, $0x1  }
0x8: {  	s2 =	simm.s32 $0x0;
	s7 =	sadd.s32 $0x2F78, s0;
	s8 =	sadd.s32 $0x2F78, s1  }
0x9: {  	s9 =	sadd.s32 $0x3026, s0;
	s10 =	sadd.s32 $0x3026, s1;
	s26 =	sshll.u32 s18, $0x9  }
0xa: {  	s31 =	sshll.u32 s18, $0x7;
	s13 =	sshll.u32 s18, $0x5;
	s16 =	sshll.u32 s18, $0xA  }
0xb: {  	p1 =	sgt.u32 s18, $0x3;
	s15 =	sor.u32 s4, s5;
	[smem:$0x7FF] =	sst s2  }
0xc: {  	s6 =	sshll.u32 s4, $0x4;
	s4 =	ssub.s32 $0x2, s4;
	s5 =	smul.u32 $0xC40, s15  }
0xd: {  	_ =	strace $0x80000047;
	s11 =	sadd.s32 s6, s3;
	s24 =	sshrl.u32 s4, $0x1  }
0xe: {  	p0 =	seq.s32 s15, $0x1F;
	s15 =	simm.s32 $0xC80;
	s13 =	sadd.s32 s13, s11  }
0xf: {  	s14 =	ssub.s32 s4, s24;
	s5 =	sshrl.u32 s5, $0x3;
	s13 =	sadd.s32 $0x400, s13  }
.Ltmp0:
0x10: {  	s14 =	smax.u32 s14, $0x1;
	s25 =	sadd.s32 $0xC4, s5;
	(pc) =	sbr.rel .LBB2_1-.Ltmp0, $4  }
0x11: {  	s3 =	sadd.s32 s0, s5;
	s4 =	sadd.s32 s1, s5;
	s5 =	sadd.s32 s0, s25  }
0x12: {  	s6 =	sadd.s32 s1, s25;
	s0 =	sand.u32 $0x1000, s26;
	s1 =	sand.u32 $0x380, s31  }
0x13: {  	s25 =	simm.s32 $0x1B00;
	s26 =	simm.s32 $0x2300;
	s0 =	sadd.s32 s0, s12  }
0x14: {  	v0 =	vimm.f32 $0.0e+00;
	vm0 =	vcmask $0x3F3C;
	vm1 =	vmmov $0x7fff;
	s12 =	sadd.s32 s16, s12;
	s16 =	simm.s32 $0x1;
	s11 =	sadd.s32 s1, s0  }
.LBB2_21:
0x15: {  	v15 =	vld [tilespmem:s0+$0x1B00]  }
0x16: {  	v16 =	vld [tilespmem:s0+$0x1B10]  }
0x17: {  	v17 =	vld [tilespmem:s0+$0x1B20]  }
0x18: {  	v18 =	vld [tilespmem:s0+$0x1B30]  }
0x19: {  	v19 =	vld [tilespmem:s0+$0x1B40]  }
0x1a: {  	v2 =	vadd.f32 v12, v2;
	v61 =	vld [tilespmem:s0+$0x1B60];
	v6 =	vadd.f32 v15, v6  }
0x1b: {  	v14 =	vld [tilespmem:s0+$0x1B70];
	v7 =	vadd.f32 v11, v7;
	v4 =	vadd.f32 v16, v4  }
0x1c: {  	v60 =	vld [tilespmem:s0+$0x1B50];
	v8 =	vadd.f32 v8, v9;
	v2 =	vadd.f32 v17, v2;
	[tilespmem:$0x2300] =	vst v6  }
0x1d: {  	v3 =	vadd.f32 v13, v3;
	v62 =	vadd.f32 v18, v7;
	[tilespmem:$0x2310] =	vst v4  }
0x1e: {  	v63 =	vadd.f32 v19, v8;
	[tilespmem:$0x2320] =	vst v2  }
0x1f: {  	v5 =	vadd.f32 v10, v5;
	v3 =	vadd.f32 v61, v3;
	[tilespmem:$0x2330] =	vst v62  }
0x20: {  	v1 =	vadd.f32 v14, v1;
	[tilespmem:$0x2340] =	vst v63  }
0x21: {  	v2 =	vadd.f32 v60, v5;
	[tilespmem:$0x2360] =	vst v3  }
0x22: {  	[tilespmem:$0x2370] =	vst v1  }
0x23: {  	[tilespmem:$0x2350] =	vst v2  }
0x24: {  	[hbm4b:s13+s2] =	stream.linear.scatter [tilespmem:s26], [sflag:$0x3], $0x80, $0x38;
	[tilespmem:$0x2580] =	vst v63  }
0x25: {  	_ =	swait.ge [sflag:s23], $0x80  }
0x26: {  	[sflag:s23] =	ssyncset.done $0x0  }
0x27: {  	[sflag:s23] =	ssyncadd.s32 $0xFFFFFF80  }
.LBB2_22:
0x28: {  	s30 =	sadd.s32 $0x1, s30  }
0x29: {  	p2 =	sne.s32 s30, s14  }
.Ltmp1:
0x2a: {  	_ = 	snop;
	(pc) =	sbr.rel @!p2 .LBB2_23-.Ltmp1, $1  }
0x2b: {  	_ =	sdelay $0x3  }
.LBB2_1:
.Ltmp2:
0x2c: {  	(pc) =	sbr.rel @!p0 .LBB2_2-.Ltmp2, $1  }
0x2d: {  	_ =	sdelay $0x3  }
0x2e: {  	[tilespmem:s2], [sflag:$0x1] =	stream.linear.gather [hbm4b:s7+s2], $0x570, $0x38;
	[tilespmem:$0x2580] =	vst v63  }
0x2f: {  	_ = 	snop  }
0x30: {  	[tilespmem:s15], [sflag:$0x2] =	stream.linear.gather [hbm4b:s8+s2], $0x570, $0x38;
	[tilespmem:$0x2580] =	vst v63  }
0x31: {  	[tilespmem:$0x1900] =	vst v0  }
0x32: {  	[tilespmem:$0x1910] =	vst v0  }
0x33: {  	[tilespmem:$0x1920] =	vst v0  }
0x34: {  	[tilespmem:$0x1930] =	vst v0  }
0x35: {  	[tilespmem:$0x1940] =	vst v0  }
0x36: {  	[tilespmem:$0x1950] =	vst v0  }
0x37: {  	[tilespmem:$0x1960] =	vst v0  }
0x38: {  	[tilespmem:$0x1970] =	vst v0  }
0x39: {  	[tilespmem:$0x1980] =	vst v0  }
0x3a: {  	[tilespmem:$0x1990] =	vst v0  }
0x3b: {  	[tilespmem:$0x19A0] =	vst v0  }
0x3c: {  	[tilespmem:$0x19B0] =	vst v0  }
0x3d: {  	[tilespmem:$0x19C0] =	vst v0  }
0x3e: {  	[tilespmem:$0x19D0] =	vst v0  }
0x3f: {  	[tilespmem:$0x19E0] =	vst v0  }
0x40: {  	[tilespmem:$0x19F0] =	vst v0  }
0x41: {  	[tilespmem:$0x1A00] =	vst v0  }
0x42: {  	[tilespmem:$0x1A10] =	vst v0  }
0x43: {  	[tilespmem:$0x1A20] =	vst v0  }
0x44: {  	[tilespmem:$0x1A30] =	vst v0  }
0x45: {  	[tilespmem:$0x1A40] =	vst v0  }
0x46: {  	[tilespmem:$0x1A50] =	vst v0  }
0x47: {  	[tilespmem:$0x1A60] =	vst v0  }
0x48: {  	[tilespmem:$0x1A70] =	vst v0  }
0x49: {  	[tilespmem:$0x1A80] =	vst v0  }
0x4a: {  	[tilespmem:$0x1A90] =	vst v0  }
0x4b: {  	[tilespmem:$0x1AA0] =	vst v0  }
0x4c: {  	[tilespmem:$0x1AB0] =	vst v0  }
0x4d: {  	[tilespmem:$0x1AC0] =	vst v0  }
0x4e: {  	[tilespmem:$0x1AD0] =	vst v0  }
0x4f: {  	[tilespmem:$0x1AE0] =	vst v0  }
0x50: {  	[tilespmem:$0x1AF0] =	vst v0  }
0x51: {  	_ =	swait.ge [sflag:s16], $0x570  }
0x52: {  	[sflag:s16] =	ssyncset.done $0x0  }
0x53: {  	[sflag:s16] =	ssyncadd.s32 $0xFFFFFA90  }
0x54: {  	_ =	swait.ge [sflag:s17], $0x570  }
0x55: {  	[sflag:s17] =	ssyncset.done $0x0  }
0x56: {  	s0 =	simm.s32 $0x570;
	[sflag:s17] =	ssyncadd.s32 $0xFFFFFA90  }
0x57: {  	[tilespmem:s0], [sflag:$0x1] =	stream.linear.gather [hbm4b:s9+s2], $0x570, $0x38;
	[tilespmem:$0x2580] =	vst v63  }
0x58: {  	s19 =	simm.s32 $0x11F0;
	s24 =	simm.s32 $0x20  }
0x59: {  	[tilespmem:s19], [sflag:$0x2] =	stream.linear.gather [hbm4b:s10+s2], $0x570, $0x38;
	[tilespmem:$0x2580] =	vst v63  }
0x5a: {  	v1 =	vld [tilespmem:s24+$0xFFFFFFF0];
	_ =	sdelay $0x1  }
0x5b: {  	s18 =	simm.s32 $0xCA0;
	v6 =	vld [tilespmem:s24+$0xFFFFFFE0]  }
0x5c: {  	v4 =	vld [tilespmem:s18+$0xFFFFFFF1]  }
0x5d: {  	v8 =	vld [tilespmem:s18+$0xFFFFFFF0]  }
0x5e: {  	(xrf2) =	vadd.scan.msk.f32 $0xffff, v1;
	_ =	sdelay $0x1  }
0x5f: {  	(xrf2) =	vadd.scan.msk.f32 $0xffff, v6  }
0x60: {  	v7 =	vld [tilespmem:s24+$0x10]  }
0x61: {  	v5 =	vld [tilespmem:s18+$0xFFFFFFE0];
	vm2 =	vne.s32 v8, v4  }
0x62: {  	v1 =	vld [tilespmem:s18+$0xFFFFFFE1];
	vm5 =	vmor vm2, vm0  }
0x63: {  	v9 =	vld [tilespmem:s24+$0x0]  }
0x64: {  	v2 =	vld [tilespmem:s18+$0x1]  }
0x65: {  	v3 =	vld [tilespmem:s18+$0x11];
	(xrf2) =	vadd.scan.msk.f32 $0xffff, v7  }
0x66: {  	v6 =	vld [tilespmem:s18+$0x0]  }
0x67: {  	s31 =	simm.s32 $0x540;
	v7 =	vld [tilespmem:s18+$0x10];
	vm4 =	vne.s32 v5, v1;
	v10, _, _ =	vpop (xrf2)  }
0x68: {  	s1 =	simm.s32 $0x11C1;
	s19 =	simm.s32 $0x0;
	s24 =	simm.s32 $0x60;
	vm3 =	vmor vm4, vm0;
	(xrf2) =	vadd.scan.msk.f32 $0xffff, v9;
	[tilespmem:v8+s20+$0x0] =	vst.idx.add.f32.msk vm5, v10;
	v8 =	vsub.f32 $0.0e+00, v10  }
.LBB2_11:
0x69: {  	v9 =	vld [tilespmem:s24+$0xFFFFFFF0];
	s19 =	sadd.s32 $0x40, s19;
	s18 =	sadd.s32 $0x40, s18;
	s0 =	simm.s32 $0x530;
	v10, _, _ =	vpop (xrf2)  }
0x6a: {  	vm4 =	vmand vm4, vm1;
	v11 =	vld [tilespmem:s18+$0x1];
	p2 =	slt.u32 s19, $0x500  }
0x6b: {  	v12 =	vld [tilespmem:s18+$0xFFFFFFE1];
	vm6 =	vne.s32 v6, v2  }
0x6c: {  	vm2 =	vmand vm2, vm1;
	v13 =	vld [tilespmem:s18+$0x11];
	vm5 =	vmor vm6, vm0;
	vm7 =	vne.s32 v7, v3  }
0x6d: {  	v14 =	vld [tilespmem:s18+$0xFFFFFFE0];
	vm8 =	vmor vm7, vm0  }
0x6e: {  	v16 =	vsub.f32 $0.0e+00, v10;
	vm9 =	vmand vm6, vm1;
	v15 =	vld [tilespmem:s24+$0xFFFFFFE0]  }
0x6f: {  	vm6 =	vmand vm7, vm1;
	v17 =	vld [tilespmem:s18+$0xFFFFFFF1];
	v18, _, _ =	vpop (xrf2)  }
0x70: {  	v19 =	vld [tilespmem:s18+$0xFFFFFFF0];
	(xrf2) =	vadd.scan.msk.f32 $0xffff, v9  }
0x71: {  	[tilespmem:v5+s20+$0x0] =	vst.idx.add.f32.msk vm3, v10  }
0x72: {  	[tilespmem:v4+s20+$0x0] =	vst.idx.add.f32.msk vm2, v8;
	v8, _, _ =	vpop (xrf2);
	v5 =	vmov v14  }
0x73: {  	(xrf2) =	vadd.scan.msk.f32 $0xffff, v15;
	[tilespmem:v7+s20+$0x0] =	vst.idx.add.f32.msk vm8, v18;
	v7 =	vsub.f32 $0.0e+00, v18  }
0x74: {  	v9 =	vld [tilespmem:s24+$0x10];
	v4 =	vmov v17  }
0x75: {  	v14 =	vsub.f32 $0.0e+00, v8;
	vm2 =	vne.s32 v19, v4;
	v10 =	vld [tilespmem:s24+$0x0]  }
0x76: {  	vm7 =	vmor vm2, vm0;
	[tilespmem:v6+s20+$0x0] =	vst.idx.add.f32.msk vm5, v8  }
0x77: {  	[tilespmem:v1+s20+$0x0] =	vst.idx.add.f32.msk vm4, v16;
	v1 =	vmov v12  }
.Ltmp3:
0x78: {  	[tilespmem:v2+s20+$0x0] =	vst.idx.add.f32.msk vm9, v14;
	v2 =	vmov v11;
	(pc) =	sbr.rel @p2 .LBB2_11-.Ltmp3, $4  }
0x79: {  	(xrf2) =	vadd.scan.msk.f32 $0xffff, v9;
	[tilespmem:v3+s20+$0x0] =	vst.idx.add.f32.msk vm6, v7;
	v3 =	vmov v13  }
0x7a: {  	v6 =	vld [tilespmem:s18+$0x0];
	v8, _, _ =	vpop (xrf2)  }
0x7b: {  	vm4 =	vne.s32 v5, v1;
	v7 =	vld [tilespmem:s18+$0x10]  }
0x7c: {  	s24 =	sadd.s32 $0x40, s24;
	vm3 =	vmor vm4, vm0;
	[tilespmem:v19+s20+$0x0] =	vst.idx.add.f32.msk vm7, v8;
	v8 =	vsub.f32 $0.0e+00, v8;
	(xrf2) =	vadd.scan.msk.f32 $0xffff, v10  }
0x7d: {  	_ =	sdelay $0x1  }
0x7e: {  	vm2 =	vmand vm2, vm1  }
0x7f: {  	vm4 =	vmand vm4, vm1;
	vm5 =	vne.s32 v7, v3  }
0x80: {  	vm6 =	vne.s32 v6, v2;
	vm7 =	vmor vm5, vm0  }
0x81: {  	vm8 =	vmor vm6, vm0  }
0x82: {  	v9, _, _ =	vpop (xrf2);
	vm5 =	vmand vm5, vm1  }
0x83: {  	[tilespmem:v5+s20+$0x0] =	vst.idx.add.f32.msk vm3, v9;
	v61 =	vsub.f32 $0.0e+00, v9;
	vm6 =	vmand vm6, vm1  }
0x84: {  	[tilespmem:v4+s20+$0x0] =	vst.idx.add.f32.msk vm2, v8  }
0x85: {  	v60, _, _ =	vpop (xrf2);
	[tilespmem:v1+s20+$0x0] =	vst.idx.add.f32.msk vm4, v61  }
0x86: {  	v5 =	vsub.f32 $0.0e+00, v60;
	v62, _, _ =	vpop (xrf2);
	[tilespmem:v7+s20+$0x0] =	vst.idx.add.f32.msk vm7, v60  }
0x87: {  	v63 =	vsub.f32 $0.0e+00, v62;
	[tilespmem:v6+s20+$0x0] =	vst.idx.add.f32.msk vm8, v62  }
0x88: {  	[tilespmem:v3+s20+$0x0] =	vst.idx.add.f32.msk vm5, v5  }
0x89: {  	[tilespmem:v2+s20+$0x0] =	vst.idx.add.f32.msk vm6, v63  }
.LBB2_13:
0x8a: {  	v1 =	vld [tilespmem:s31+$0x0];
	_ =	sdelay $0x3  }
0x8b: {  	v2 =	vld [tilespmem:s1+$0xFFFFFFFF]  }
0x8c: {  	v3 =	vld [tilespmem:s1+$0x0];
	(xrf2) =	vadd.scan.msk.f32 $0xffff, v1;
	_ =	sdelay $0x4  }
0x8d: {  	vm2 =	vne.s32 v2, v3  }
0x8e: {  	vm3 =	vmor vm2, vm0  }
0x8f: {  	s0 =	sadd.s32 $0x10, s0;
	vm2 =	vmand vm2, vm1  }
0x90: {  	p2 =	slt.u32 s0, $0x560  }
.Ltmp4:
0x91: {  	_ = 	snop;
	(pc) =	sbr.rel @p2 .LBB2_13-.Ltmp4, $4  }
0x92: {  	v1, _, _ =	vpop (xrf2)  }
0x93: {  	v4 =	vsub.f32 $0.0e+00, v1  }
0x94: {  	[tilespmem:v2+s20+$0x0] =	vst.idx.add.f32.msk vm3, v1  }
0x95: {  	s31 =	sadd.s32 $0x10, s31;
	s1 =	sadd.s32 $0x10, s1;
	[tilespmem:v3+s20+$0x0] =	vst.idx.add.f32.msk vm2, v4  }
0x96: {  	_ =	swait.ge [sflag:s16], $0x570  }
0x97: {  	[sflag:s16] =	ssyncset.done $0x0  }
0x98: {  	[sflag:s16] =	ssyncadd.s32 $0xFFFFFA90  }
0x99: {  	_ =	swait.ge [sflag:s17], $0x570  }
0x9a: {  	[sflag:s17] =	ssyncset.done $0x0  }
0x9b: {  	s0 =	simm.s32 $0x5A0;
	[sflag:s17] =	ssyncadd.s32 $0xFFFFFA90  }
0x9c: {  	v1 =	vld [tilespmem:s0+$0xFFFFFFE0];
	_ =	sdelay $0x1  }
0x9d: {  	s18 =	simm.s32 $0x1221;
	v6 =	vld [tilespmem:s0+$0xFFFFFFD0]  }
0x9e: {  	v4 =	vld [tilespmem:s18+$0xFFFFFFE0]  }
0x9f: {  	v8 =	vld [tilespmem:s18+$0xFFFFFFDF]  }
0xa0: {  	(xrf2) =	vadd.scan.msk.f32 $0xffff, v1;
	_ =	sdelay $0x1  }
0xa1: {  	(xrf2) =	vadd.scan.msk.f32 $0xffff, v6  }
0xa2: {  	v7 =	vld [tilespmem:s0+$0x0]  }
0xa3: {  	v5 =	vld [tilespmem:s18+$0xFFFFFFCF];
	vm2 =	vne.s32 v8, v4  }
0xa4: {  	v1 =	vld [tilespmem:s18+$0xFFFFFFD0];
	vm5 =	vmor vm2, vm0  }
0xa5: {  	v9 =	vld [tilespmem:s0+$0xFFFFFFF0]  }
0xa6: {  	v2 =	vld [tilespmem:s18+$0xFFFFFFF0]  }
0xa7: {  	v3 =	vld [tilespmem:s18+$0x0];
	(xrf2) =	vadd.scan.msk.f32 $0xffff, v7  }
0xa8: {  	v6 =	vld [tilespmem:s18+$0xFFFFFFEF]  }
0xa9: {  	s19 =	simm.s32 $0x570;
	v7 =	vld [tilespmem:s18+$0xFFFFFFFF];
	vm4 =	vne.s32 v5, v1;
	v10, _, _ =	vpop (xrf2)  }
0xaa: {  	s24 =	simm.s32 $0x5E0;
	s31 =	simm.s32 $0xAB0;
	s1 =	simm.s32 $0x1731;
	vm3 =	vmor vm4, vm0;
	(xrf2) =	vadd.scan.msk.f32 $0xffff, v9;
	[tilespmem:v8+s20+$0x0] =	vst.idx.add.f32.msk vm5, v10;
	v8 =	vsub.f32 $0.0e+00, v10  }
.LBB2_15:
0xab: {  	v9 =	vld [tilespmem:s24+$0xFFFFFFE0];
	s19 =	sadd.s32 $0x40, s19;
	s18 =	sadd.s32 $0x40, s18;
	s0 =	simm.s32 $0xAA0;
	v10, _, _ =	vpop (xrf2)  }
0xac: {  	vm4 =	vmand vm4, vm1;
	v11 =	vld [tilespmem:s18+$0xFFFFFFF0];
	p2 =	slt.u32 s19, $0xA70  }
0xad: {  	v12 =	vld [tilespmem:s18+$0xFFFFFFD0];
	vm6 =	vne.s32 v6, v2  }
0xae: {  	vm2 =	vmand vm2, vm1;
	v13 =	vld [tilespmem:s18+$0x0];
	vm5 =	vmor vm6, vm0;
	vm7 =	vne.s32 v7, v3  }
0xaf: {  	v14 =	vld [tilespmem:s18+$0xFFFFFFCF];
	vm8 =	vmor vm7, vm0  }
0xb0: {  	v16 =	vsub.f32 $0.0e+00, v10;
	vm9 =	vmand vm6, vm1;
	v15 =	vld [tilespmem:s24+$0xFFFFFFD0]  }
0xb1: {  	vm6 =	vmand vm7, vm1;
	v17 =	vld [tilespmem:s18+$0xFFFFFFE0];
	v18, _, _ =	vpop (xrf2)  }
0xb2: {  	v19 =	vld [tilespmem:s18+$0xFFFFFFDF];
	(xrf2) =	vadd.scan.msk.f32 $0xffff, v9  }
0xb3: {  	[tilespmem:v5+s20+$0x0] =	vst.idx.add.f32.msk vm3, v10  }
0xb4: {  	[tilespmem:v4+s20+$0x0] =	vst.idx.add.f32.msk vm2, v8;
	v8, _, _ =	vpop (xrf2);
	v5 =	vmov v14  }
0xb5: {  	(xrf2) =	vadd.scan.msk.f32 $0xffff, v15;
	[tilespmem:v7+s20+$0x0] =	vst.idx.add.f32.msk vm8, v18;
	v7 =	vsub.f32 $0.0e+00, v18  }
0xb6: {  	v9 =	vld [tilespmem:s24+$0x0];
	v4 =	vmov v17  }
0xb7: {  	v14 =	vsub.f32 $0.0e+00, v8;
	vm2 =	vne.s32 v19, v4;
	v10 =	vld [tilespmem:s24+$0xFFFFFFF0]  }
0xb8: {  	vm7 =	vmor vm2, vm0;
	[tilespmem:v6+s20+$0x0] =	vst.idx.add.f32.msk vm5, v8  }
0xb9: {  	[tilespmem:v1+s20+$0x0] =	vst.idx.add.f32.msk vm4, v16;
	v1 =	vmov v12  }
.Ltmp5:
0xba: {  	[tilespmem:v2+s20+$0x0] =	vst.idx.add.f32.msk vm9, v14;
	v2 =	vmov v11;
	(pc) =	sbr.rel @p2 .LBB2_15-.Ltmp5, $4  }
0xbb: {  	(xrf2) =	vadd.scan.msk.f32 $0xffff, v9;
	[tilespmem:v3+s20+$0x0] =	vst.idx.add.f32.msk vm6, v7;
	v3 =	vmov v13  }
0xbc: {  	v6 =	vld [tilespmem:s18+$0xFFFFFFEF];
	v8, _, _ =	vpop (xrf2)  }
0xbd: {  	vm4 =	vne.s32 v5, v1;
	v7 =	vld [tilespmem:s18+$0xFFFFFFFF]  }
0xbe: {  	s24 =	sadd.s32 $0x40, s24;
	vm3 =	vmor vm4, vm0;
	[tilespmem:v19+s20+$0x0] =	vst.idx.add.f32.msk vm7, v8;
	v8 =	vsub.f32 $0.0e+00, v8;
	(xrf2) =	vadd.scan.msk.f32 $0xffff, v10  }
0xbf: {  	_ =	sdelay $0x1  }
0xc0: {  	vm2 =	vmand vm2, vm1  }
0xc1: {  	vm4 =	vmand vm4, vm1;
	vm5 =	vne.s32 v7, v3  }
0xc2: {  	vm6 =	vne.s32 v6, v2;
	vm7 =	vmor vm5, vm0  }
0xc3: {  	vm8 =	vmor vm6, vm0  }
0xc4: {  	v9, _, _ =	vpop (xrf2);
	vm5 =	vmand vm5, vm1  }
0xc5: {  	[tilespmem:v5+s20+$0x0] =	vst.idx.add.f32.msk vm3, v9;
	v61 =	vsub.f32 $0.0e+00, v9;
	vm6 =	vmand vm6, vm1  }
0xc6: {  	[tilespmem:v4+s20+$0x0] =	vst.idx.add.f32.msk vm2, v8  }
0xc7: {  	v60, _, _ =	vpop (xrf2);
	[tilespmem:v1+s20+$0x0] =	vst.idx.add.f32.msk vm4, v61  }
0xc8: {  	v5 =	vsub.f32 $0.0e+00, v60;
	v62, _, _ =	vpop (xrf2);
	[tilespmem:v7+s20+$0x0] =	vst.idx.add.f32.msk vm7, v60  }
0xc9: {  	v63 =	vsub.f32 $0.0e+00, v62;
	[tilespmem:v6+s20+$0x0] =	vst.idx.add.f32.msk vm8, v62  }
0xca: {  	[tilespmem:v3+s20+$0x0] =	vst.idx.add.f32.msk vm5, v5  }
0xcb: {  	[tilespmem:v2+s20+$0x0] =	vst.idx.add.f32.msk vm6, v63  }
.LBB2_17:
0xcc: {  	v1 =	vld [tilespmem:s31+$0x0];
	_ =	sdelay $0x3  }
0xcd: {  	v2 =	vld [tilespmem:s1+$0xFFFFFFFF]  }
0xce: {  	v3 =	vld [tilespmem:s1+$0x0];
	(xrf2) =	vadd.scan.msk.f32 $0xffff, v1;
	_ =	sdelay $0x4  }
0xcf: {  	vm2 =	vne.s32 v2, v3  }
0xd0: {  	vm3 =	vmor vm2, vm0  }
0xd1: {  	s0 =	sadd.s32 $0x10, s0;
	vm2 =	vmand vm2, vm1  }
0xd2: {  	p2 =	slt.u32 s0, $0xAD0  }
.Ltmp6:
0xd3: {  	_ = 	snop;
	(pc) =	sbr.rel @p2 .LBB2_17-.Ltmp6, $4  }
0xd4: {  	v1, _, _ =	vpop (xrf2)  }
0xd5: {  	v4 =	vsub.f32 $0.0e+00, v1  }
0xd6: {  	[tilespmem:v2+s20+$0x0] =	vst.idx.add.f32.msk vm3, v1  }
0xd7: {  	s31 =	sadd.s32 $0x10, s31;
	s1 =	sadd.s32 $0x10, s1;
	[tilespmem:v3+s20+$0x0] =	vst.idx.add.f32.msk vm2, v4  }
.Ltmp7:
0xd8: {  	_ = 	snop;
	(pc) =	sbr.rel .LBB2_18-.Ltmp7, $1  }
0xd9: {  	_ =	sdelay $0x3  }
.LBB2_2:
0xda: {  	[tilespmem:s2], [sflag:$0x1] =	stream.linear.gather [hbm4b:s3+s2], $0x620, $0x38;
	[tilespmem:$0x2580] =	vst v63  }
0xdb: {  	_ = 	snop  }
0xdc: {  	[tilespmem:s15], [sflag:$0x2] =	stream.linear.gather [hbm4b:s4+s2], $0x620, $0x38;
	[tilespmem:$0x2580] =	vst v63  }
0xdd: {  	[tilespmem:$0x1900] =	vst v0  }
0xde: {  	[tilespmem:$0x1910] =	vst v0  }
0xdf: {  	[tilespmem:$0x1920] =	vst v0  }
0xe0: {  	[tilespmem:$0x1930] =	vst v0  }
0xe1: {  	[tilespmem:$0x1940] =	vst v0  }
0xe2: {  	[tilespmem:$0x1950] =	vst v0  }
0xe3: {  	[tilespmem:$0x1960] =	vst v0  }
0xe4: {  	[tilespmem:$0x1970] =	vst v0  }
0xe5: {  	[tilespmem:$0x1980] =	vst v0  }
0xe6: {  	[tilespmem:$0x1990] =	vst v0  }
0xe7: {  	[tilespmem:$0x19A0] =	vst v0  }
0xe8: {  	[tilespmem:$0x19B0] =	vst v0  }
0xe9: {  	[tilespmem:$0x19C0] =	vst v0  }
0xea: {  	[tilespmem:$0x19D0] =	vst v0  }
0xeb: {  	[tilespmem:$0x19E0] =	vst v0  }
0xec: {  	[tilespmem:$0x19F0] =	vst v0  }
0xed: {  	[tilespmem:$0x1A00] =	vst v0  }
0xee: {  	[tilespmem:$0x1A10] =	vst v0  }
0xef: {  	[tilespmem:$0x1A20] =	vst v0  }
0xf0: {  	[tilespmem:$0x1A30] =	vst v0  }
0xf1: {  	[tilespmem:$0x1A40] =	vst v0  }
0xf2: {  	[tilespmem:$0x1A50] =	vst v0  }
0xf3: {  	[tilespmem:$0x1A60] =	vst v0  }
0xf4: {  	[tilespmem:$0x1A70] =	vst v0  }
0xf5: {  	[tilespmem:$0x1A80] =	vst v0  }
0xf6: {  	[tilespmem:$0x1A90] =	vst v0  }
0xf7: {  	[tilespmem:$0x1AA0] =	vst v0  }
0xf8: {  	[tilespmem:$0x1AB0] =	vst v0  }
0xf9: {  	[tilespmem:$0x1AC0] =	vst v0  }
0xfa: {  	[tilespmem:$0x1AD0] =	vst v0  }
0xfb: {  	[tilespmem:$0x1AE0] =	vst v0  }
0xfc: {  	[tilespmem:$0x1AF0] =	vst v0  }
0xfd: {  	_ =	swait.ge [sflag:s16], $0x620  }
0xfe: {  	[sflag:s16] =	ssyncset.done $0x0  }
0xff: {  	[sflag:s16] =	ssyncadd.s32 $0xFFFFF9E0  }
0x100: {  	_ =	swait.ge [sflag:s17], $0x620  }
0x101: {  	[sflag:s17] =	ssyncset.done $0x0  }
0x102: {  	[sflag:s17] =	ssyncadd.s32 $0xFFFFF9E0  }
0x103: {  	[tilespmem:s28], [sflag:$0x1] =	stream.linear.gather [hbm4b:s5+s2], $0x620, $0x38;
	[tilespmem:$0x2580] =	vst v63  }
0x104: {  	s0 =	simm.s32 $0x20  }
0x105: {  	[tilespmem:s29], [sflag:$0x2] =	stream.linear.gather [hbm4b:s6+s2], $0x620, $0x38;
	[tilespmem:$0x2580] =	vst v63  }
0x106: {  	v1 =	vld [tilespmem:s0+$0xFFFFFFF0];
	_ =	sdelay $0x1  }
0x107: {  	s18 =	simm.s32 $0xCA0;
	v6 =	vld [tilespmem:s0+$0xFFFFFFE0]  }
0x108: {  	v4 =	vld [tilespmem:s18+$0xFFFFFFF1]  }
0x109: {  	v8 =	vld [tilespmem:s18+$0xFFFFFFF0]  }
0x10a: {  	(xrf2) =	vadd.scan.msk.f32 $0xffff, v1;
	_ =	sdelay $0x1  }
0x10b: {  	(xrf2) =	vadd.scan.msk.f32 $0xffff, v6  }
0x10c: {  	v7 =	vld [tilespmem:s0+$0x10]  }
0x10d: {  	v5 =	vld [tilespmem:s18+$0xFFFFFFE0];
	vm2 =	vne.s32 v8, v4  }
0x10e: {  	v1 =	vld [tilespmem:s18+$0xFFFFFFE1];
	vm5 =	vmor vm2, vm0  }
0x10f: {  	v9 =	vld [tilespmem:s0+$0x0]  }
0x110: {  	v2 =	vld [tilespmem:s18+$0x1]  }
0x111: {  	v3 =	vld [tilespmem:s18+$0x11];
	(xrf2) =	vadd.scan.msk.f32 $0xffff, v7  }
0x112: {  	v6 =	vld [tilespmem:s18+$0x0]  }
0x113: {  	s19 =	simm.s32 $0x0;
	v7 =	vld [tilespmem:s18+$0x10];
	vm4 =	vne.s32 v5, v1;
	v10, _, _ =	vpop (xrf2)  }
0x114: {  	s24 =	simm.s32 $0x60;
	s31 =	simm.s32 $0x600;
	s1 =	simm.s32 $0x1281;
	vm3 =	vmor vm4, vm0;
	(xrf2) =	vadd.scan.msk.f32 $0xffff, v9;
	[tilespmem:v8+s20+$0x0] =	vst.idx.add.f32.msk vm5, v10;
	v8 =	vsub.f32 $0.0e+00, v10  }
.LBB2_3:
0x115: {  	v9 =	vld [tilespmem:s24+$0xFFFFFFF0];
	s19 =	sadd.s32 $0x40, s19;
	s18 =	sadd.s32 $0x40, s18;
	s0 =	simm.s32 $0x5F0;
	v10, _, _ =	vpop (xrf2)  }
0x116: {  	vm4 =	vmand vm4, vm1;
	v11 =	vld [tilespmem:s18+$0x1];
	p2 =	slt.u32 s19, $0x5C0  }
0x117: {  	v12 =	vld [tilespmem:s18+$0xFFFFFFE1];
	vm6 =	vne.s32 v6, v2  }
0x118: {  	vm2 =	vmand vm2, vm1;
	v13 =	vld [tilespmem:s18+$0x11];
	vm5 =	vmor vm6, vm0;
	vm7 =	vne.s32 v7, v3  }
0x119: {  	v14 =	vld [tilespmem:s18+$0xFFFFFFE0];
	vm8 =	vmor vm7, vm0  }
0x11a: {  	v16 =	vsub.f32 $0.0e+00, v10;
	vm9 =	vmand vm6, vm1;
	v15 =	vld [tilespmem:s24+$0xFFFFFFE0]  }
0x11b: {  	vm6 =	vmand vm7, vm1;
	v17 =	vld [tilespmem:s18+$0xFFFFFFF1];
	v18, _, _ =	vpop (xrf2)  }
0x11c: {  	v19 =	vld [tilespmem:s18+$0xFFFFFFF0];
	(xrf2) =	vadd.scan.msk.f32 $0xffff, v9  }
0x11d: {  	[tilespmem:v5+s20+$0x0] =	vst.idx.add.f32.msk vm3, v10  }
0x11e: {  	[tilespmem:v4+s20+$0x0] =	vst.idx.add.f32.msk vm2, v8;
	v8, _, _ =	vpop (xrf2);
	v5 =	vmov v14  }
0x11f: {  	(xrf2) =	vadd.scan.msk.f32 $0xffff, v15;
	[tilespmem:v7+s20+$0x0] =	vst.idx.add.f32.msk vm8, v18;
	v7 =	vsub.f32 $0.0e+00, v18  }
0x120: {  	v9 =	vld [tilespmem:s24+$0x10];
	v4 =	vmov v17  }
0x121: {  	v14 =	vsub.f32 $0.0e+00, v8;
	vm2 =	vne.s32 v19, v4;
	v10 =	vld [tilespmem:s24+$0x0]  }
0x122: {  	vm7 =	vmor vm2, vm0;
	[tilespmem:v6+s20+$0x0] =	vst.idx.add.f32.msk vm5, v8  }
0x123: {  	[tilespmem:v1+s20+$0x0] =	vst.idx.add.f32.msk vm4, v16;
	v1 =	vmov v12  }
.Ltmp8:
0x124: {  	[tilespmem:v2+s20+$0x0] =	vst.idx.add.f32.msk vm9, v14;
	v2 =	vmov v11;
	(pc) =	sbr.rel @p2 .LBB2_3-.Ltmp8, $4  }
0x125: {  	(xrf2) =	vadd.scan.msk.f32 $0xffff, v9;
	[tilespmem:v3+s20+$0x0] =	vst.idx.add.f32.msk vm6, v7;
	v3 =	vmov v13  }
0x126: {  	v6 =	vld [tilespmem:s18+$0x0];
	v8, _, _ =	vpop (xrf2)  }
0x127: {  	vm4 =	vne.s32 v5, v1;
	v7 =	vld [tilespmem:s18+$0x10]  }
0x128: {  	s24 =	sadd.s32 $0x40, s24;
	vm3 =	vmor vm4, vm0;
	[tilespmem:v19+s20+$0x0] =	vst.idx.add.f32.msk vm7, v8;
	v8 =	vsub.f32 $0.0e+00, v8;
	(xrf2) =	vadd.scan.msk.f32 $0xffff, v10  }
0x129: {  	_ =	sdelay $0x1  }
0x12a: {  	vm2 =	vmand vm2, vm1  }
0x12b: {  	vm4 =	vmand vm4, vm1;
	vm5 =	vne.s32 v7, v3  }
0x12c: {  	vm6 =	vne.s32 v6, v2;
	vm7 =	vmor vm5, vm0  }
0x12d: {  	vm8 =	vmor vm6, vm0  }
0x12e: {  	v9, _, _ =	vpop (xrf2);
	vm5 =	vmand vm5, vm1  }
0x12f: {  	[tilespmem:v5+s20+$0x0] =	vst.idx.add.f32.msk vm3, v9;
	v61 =	vsub.f32 $0.0e+00, v9;
	vm6 =	vmand vm6, vm1  }
0x130: {  	[tilespmem:v4+s20+$0x0] =	vst.idx.add.f32.msk vm2, v8  }
0x131: {  	v60, _, _ =	vpop (xrf2);
	[tilespmem:v1+s20+$0x0] =	vst.idx.add.f32.msk vm4, v61  }
0x132: {  	v5 =	vsub.f32 $0.0e+00, v60;
	v62, _, _ =	vpop (xrf2);
	[tilespmem:v7+s20+$0x0] =	vst.idx.add.f32.msk vm7, v60  }
0x133: {  	v63 =	vsub.f32 $0.0e+00, v62;
	[tilespmem:v6+s20+$0x0] =	vst.idx.add.f32.msk vm8, v62  }
0x134: {  	[tilespmem:v3+s20+$0x0] =	vst.idx.add.f32.msk vm5, v5  }
0x135: {  	[tilespmem:v2+s20+$0x0] =	vst.idx.add.f32.msk vm6, v63  }
.LBB2_5:
0x136: {  	v1 =	vld [tilespmem:s31+$0x0];
	_ =	sdelay $0x3  }
0x137: {  	v2 =	vld [tilespmem:s1+$0xFFFFFFFF]  }
0x138: {  	v3 =	vld [tilespmem:s1+$0x0];
	(xrf2) =	vadd.scan.msk.f32 $0xffff, v1;
	_ =	sdelay $0x4  }
0x139: {  	vm2 =	vne.s32 v2, v3  }
0x13a: {  	vm3 =	vmor vm2, vm0  }
0x13b: {  	s0 =	sadd.s32 $0x10, s0;
	vm2 =	vmand vm2, vm1  }
0x13c: {  	p2 =	slt.u32 s0, $0x610  }
.Ltmp9:
0x13d: {  	_ = 	snop;
	(pc) =	sbr.rel @p2 .LBB2_5-.Ltmp9, $4  }
0x13e: {  	v1, _, _ =	vpop (xrf2)  }
0x13f: {  	v4 =	vsub.f32 $0.0e+00, v1  }
0x140: {  	[tilespmem:v2+s20+$0x0] =	vst.idx.add.f32.msk vm3, v1  }
0x141: {  	s31 =	sadd.s32 $0x10, s31;
	s1 =	sadd.s32 $0x10, s1;
	[tilespmem:v3+s20+$0x0] =	vst.idx.add.f32.msk vm2, v4  }
0x142: {  	_ =	swait.ge [sflag:s16], $0x620  }
0x143: {  	[sflag:s16] =	ssyncset.done $0x0  }
0x144: {  	[sflag:s16] =	ssyncadd.s32 $0xFFFFF9E0  }
0x145: {  	_ =	swait.ge [sflag:s17], $0x620  }
0x146: {  	[sflag:s17] =	ssyncset.done $0x0  }
0x147: {  	s0 =	simm.s32 $0x650;
	[sflag:s17] =	ssyncadd.s32 $0xFFFFF9E0  }
0x148: {  	v1 =	vld [tilespmem:s0+$0xFFFFFFE0];
	_ =	sdelay $0x1  }
0x149: {  	s18 =	simm.s32 $0x12D1;
	v6 =	vld [tilespmem:s0+$0xFFFFFFD0]  }
0x14a: {  	v4 =	vld [tilespmem:s18+$0xFFFFFFE0]  }
0x14b: {  	v8 =	vld [tilespmem:s18+$0xFFFFFFDF]  }
0x14c: {  	(xrf2) =	vadd.scan.msk.f32 $0xffff, v1;
	_ =	sdelay $0x1  }
0x14d: {  	(xrf2) =	vadd.scan.msk.f32 $0xffff, v6  }
0x14e: {  	v7 =	vld [tilespmem:s0+$0x0]  }
0x14f: {  	v5 =	vld [tilespmem:s18+$0xFFFFFFCF];
	vm2 =	vne.s32 v8, v4  }
0x150: {  	v1 =	vld [tilespmem:s18+$0xFFFFFFD0];
	vm5 =	vmor vm2, vm0  }
0x151: {  	v9 =	vld [tilespmem:s0+$0xFFFFFFF0]  }
0x152: {  	v2 =	vld [tilespmem:s18+$0xFFFFFFF0]  }
0x153: {  	v3 =	vld [tilespmem:s18+$0x0];
	(xrf2) =	vadd.scan.msk.f32 $0xffff, v7  }
0x154: {  	v6 =	vld [tilespmem:s18+$0xFFFFFFEF]  }
0x155: {  	s19 =	simm.s32 $0x620;
	v7 =	vld [tilespmem:s18+$0xFFFFFFFF];
	vm4 =	vne.s32 v5, v1;
	v10, _, _ =	vpop (xrf2)  }
0x156: {  	s24 =	simm.s32 $0x690;
	s31 =	simm.s32 $0xC20;
	s1 =	simm.s32 $0x18A1;
	vm3 =	vmor vm4, vm0;
	(xrf2) =	vadd.scan.msk.f32 $0xffff, v9;
	[tilespmem:v8+s20+$0x0] =	vst.idx.add.f32.msk vm5, v10;
	v8 =	vsub.f32 $0.0e+00, v10  }
.LBB2_7:
0x157: {  	v9 =	vld [tilespmem:s24+$0xFFFFFFE0];
	s19 =	sadd.s32 $0x40, s19;
	s18 =	sadd.s32 $0x40, s18;
	s0 =	simm.s32 $0xC10;
	v10, _, _ =	vpop (xrf2)  }
0x158: {  	vm4 =	vmand vm4, vm1;
	v11 =	vld [tilespmem:s18+$0xFFFFFFF0];
	p2 =	slt.u32 s19, $0xBE0  }
0x159: {  	v12 =	vld [tilespmem:s18+$0xFFFFFFD0];
	vm6 =	vne.s32 v6, v2  }
0x15a: {  	vm2 =	vmand vm2, vm1;
	v13 =	vld [tilespmem:s18+$0x0];
	vm5 =	vmor vm6, vm0;
	vm7 =	vne.s32 v7, v3  }
0x15b: {  	v14 =	vld [tilespmem:s18+$0xFFFFFFCF];
	vm8 =	vmor vm7, vm0  }
0x15c: {  	v16 =	vsub.f32 $0.0e+00, v10;
	vm9 =	vmand vm6, vm1;
	v15 =	vld [tilespmem:s24+$0xFFFFFFD0]  }
0x15d: {  	vm6 =	vmand vm7, vm1;
	v17 =	vld [tilespmem:s18+$0xFFFFFFE0];
	v18, _, _ =	vpop (xrf2)  }
0x15e: {  	v19 =	vld [tilespmem:s18+$0xFFFFFFDF];
	(xrf2) =	vadd.scan.msk.f32 $0xffff, v9  }
0x15f: {  	[tilespmem:v5+s20+$0x0] =	vst.idx.add.f32.msk vm3, v10  }
0x160: {  	[tilespmem:v4+s20+$0x0] =	vst.idx.add.f32.msk vm2, v8;
	v8, _, _ =	vpop (xrf2);
	v5 =	vmov v14  }
0x161: {  	(xrf2) =	vadd.scan.msk.f32 $0xffff, v15;
	[tilespmem:v7+s20+$0x0] =	vst.idx.add.f32.msk vm8, v18;
	v7 =	vsub.f32 $0.0e+00, v18  }
0x162: {  	v9 =	vld [tilespmem:s24+$0x0];
	v4 =	vmov v17  }
0x163: {  	v14 =	vsub.f32 $0.0e+00, v8;
	vm2 =	vne.s32 v19, v4;
	v10 =	vld [tilespmem:s24+$0xFFFFFFF0]  }
0x164: {  	vm7 =	vmor vm2, vm0;
	[tilespmem:v6+s20+$0x0] =	vst.idx.add.f32.msk vm5, v8  }
0x165: {  	[tilespmem:v1+s20+$0x0] =	vst.idx.add.f32.msk vm4, v16;
	v1 =	vmov v12  }
.Ltmp10:
0x166: {  	[tilespmem:v2+s20+$0x0] =	vst.idx.add.f32.msk vm9, v14;
	v2 =	vmov v11;
	(pc) =	sbr.rel @p2 .LBB2_7-.Ltmp10, $4  }
0x167: {  	(xrf2) =	vadd.scan.msk.f32 $0xffff, v9;
	[tilespmem:v3+s20+$0x0] =	vst.idx.add.f32.msk vm6, v7;
	v3 =	vmov v13  }
0x168: {  	v6 =	vld [tilespmem:s18+$0xFFFFFFEF];
	v8, _, _ =	vpop (xrf2)  }
0x169: {  	vm4 =	vne.s32 v5, v1;
	v7 =	vld [tilespmem:s18+$0xFFFFFFFF]  }
0x16a: {  	s24 =	sadd.s32 $0x40, s24;
	vm3 =	vmor vm4, vm0;
	[tilespmem:v19+s20+$0x0] =	vst.idx.add.f32.msk vm7, v8;
	v8 =	vsub.f32 $0.0e+00, v8;
	(xrf2) =	vadd.scan.msk.f32 $0xffff, v10  }
0x16b: {  	_ =	sdelay $0x1  }
0x16c: {  	vm2 =	vmand vm2, vm1  }
0x16d: {  	vm4 =	vmand vm4, vm1;
	vm5 =	vne.s32 v7, v3  }
0x16e: {  	vm6 =	vne.s32 v6, v2;
	vm7 =	vmor vm5, vm0  }
0x16f: {  	vm8 =	vmor vm6, vm0  }
0x170: {  	v9, _, _ =	vpop (xrf2);
	vm5 =	vmand vm5, vm1  }
0x171: {  	[tilespmem:v5+s20+$0x0] =	vst.idx.add.f32.msk vm3, v9;
	v61 =	vsub.f32 $0.0e+00, v9;
	vm6 =	vmand vm6, vm1  }
0x172: {  	[tilespmem:v4+s20+$0x0] =	vst.idx.add.f32.msk vm2, v8  }
0x173: {  	v60, _, _ =	vpop (xrf2);
	[tilespmem:v1+s20+$0x0] =	vst.idx.add.f32.msk vm4, v61  }
0x174: {  	v5 =	vsub.f32 $0.0e+00, v60;
	v62, _, _ =	vpop (xrf2);
	[tilespmem:v7+s20+$0x0] =	vst.idx.add.f32.msk vm7, v60  }
0x175: {  	v63 =	vsub.f32 $0.0e+00, v62;
	[tilespmem:v6+s20+$0x0] =	vst.idx.add.f32.msk vm8, v62  }
0x176: {  	[tilespmem:v3+s20+$0x0] =	vst.idx.add.f32.msk vm5, v5  }
0x177: {  	[tilespmem:v2+s20+$0x0] =	vst.idx.add.f32.msk vm6, v63  }
.LBB2_9:
0x178: {  	v1 =	vld [tilespmem:s31+$0x0];
	_ =	sdelay $0x3  }
0x179: {  	v2 =	vld [tilespmem:s1+$0xFFFFFFFF]  }
0x17a: {  	v3 =	vld [tilespmem:s1+$0x0];
	(xrf2) =	vadd.scan.msk.f32 $0xffff, v1;
	_ =	sdelay $0x4  }
0x17b: {  	vm2 =	vne.s32 v2, v3  }
0x17c: {  	vm3 =	vmor vm2, vm0  }
0x17d: {  	s0 =	sadd.s32 $0x10, s0;
	vm2 =	vmand vm2, vm1  }
0x17e: {  	p2 =	slt.u32 s0, $0xC30  }
.Ltmp11:
0x17f: {  	_ = 	snop;
	(pc) =	sbr.rel @p2 .LBB2_9-.Ltmp11, $4  }
0x180: {  	v1, _, _ =	vpop (xrf2)  }
0x181: {  	v4 =	vsub.f32 $0.0e+00, v1  }
0x182: {  	[tilespmem:v2+s20+$0x0] =	vst.idx.add.f32.msk vm3, v1  }
0x183: {  	s31 =	sadd.s32 $0x10, s31;
	s1 =	sadd.s32 $0x10, s1;
	[tilespmem:v3+s20+$0x0] =	vst.idx.add.f32.msk vm2, v4  }
.LBB2_18:
0x184: {  	[spmem:s11] =	stream.strided.scatter [tilespmem:s20], [sflag:$0x3], $0x200, s22, s21, $0x38;
	[tilespmem:$0x2580] =	vst v63  }
.Ltmp12:
0x185: {  	_ =	swait.ge [sflag:s23], $0x200;
	(pc) =	sbr.rel @p1 .LBB2_22-.Ltmp12, $3  }
0x186: {  	[sflag:s23] =	ssyncset.done $0x0  }
0x187: {  	[sflag:s23] =	ssyncadd.s32 $0xFFFFFE00  }
0x188: {  	[bflag:$0x0] =	sbarrier.arrive $0xFFFF;
	_ =	sdelay $0x1  }
0x189: {  	s0 =	simm.s32 $0x1000  }
0x18a: {  	[tilespmem:s25], [sflag:$0x3] =	stream.strided.gather [spmem:s12], $0x800, s0, s22, $0x38;
	[tilespmem:$0x2580] =	vst v63  }
0x18b: {  	_ =	swait.ge [sflag:s23], $0x800  }
0x18c: {  	[sflag:s23] =	ssyncset.done $0x0  }
0x18d: {  	s18 =	simm.s32 $0x0;
	[sflag:s23] =	ssyncadd.s32 $0xFFFFF800  }
0x18e: {  	v1 =	vld [tilespmem:s18+$0x1B70]  }
0x18f: {  	v3 =	vld [tilespmem:s18+$0x1B00]  }
0x190: {  	v4 =	vld [tilespmem:s18+$0x1B10]  }
0x191: {  	v12 =	vld [tilespmem:s18+$0x1B20]  }
0x192: {  	v11 =	vld [tilespmem:s18+$0x1B30]  }
0x193: {  	v2 =	vimm.f32 $0.0e+00;
	v7 =	vimm.f32 $0.0e+00;
	v8 =	vld [tilespmem:s18+$0x1B40]  }
0x194: {  	v9 =	vimm.f32 $0.0e+00;
	v5 =	vimm.f32 $0.0e+00;
	v10 =	vld [tilespmem:s18+$0x1B50];
	v1 =	vadd.f32 v1, v2  }
0x195: {  	s1 =	simm.s32 $0x400;
	s0 =	simm.s32 $0x80;
	v13 =	vld [tilespmem:s18+$0x1B60];
	v6 =	vadd.f32 v3, v2;
	v4 =	vadd.f32 v4, v2;
	v3 =	vimm.f32 $0.0e+00  }
.LBB2_20:
0x196: {  	p2 =	sne.s32 s1, $0x1E00;
	v14 =	vld [tilespmem:s0+$0x1B70];
	v2 =	vadd.f32 v12, v2  }
0x197: {  	v7 =	vadd.f32 v11, v7;
	v15 =	vld [tilespmem:s0+$0x1B00]  }
0x198: {  	v9 =	vadd.f32 v8, v9;
	v16 =	vld [tilespmem:s0+$0x1B10]  }
.Ltmp13:
0x199: {  	v5 =	vadd.f32 v10, v5;
	v12 =	vld [tilespmem:s0+$0x1B20];
	(pc) =	sbr.rel @p2 .LBB2_20-.Ltmp13, $4  }
0x19a: {  	v3 =	vadd.f32 v13, v3;
	v11 =	vld [tilespmem:s0+$0x1B30]  }
0x19b: {  	v8 =	vld [tilespmem:s0+$0x1B40];
	v1 =	vadd.f32 v14, v1  }
0x19c: {  	v6 =	vadd.f32 v15, v6;
	v10 =	vld [tilespmem:s0+$0x1B50]  }
0x19d: {  	v4 =	vadd.f32 v16, v4;
	v13 =	vld [tilespmem:s0+$0x1B60];
	s0 =	sshra.s32 s1, $0x2;
	s1 =	sadd.s32 $0x200, s1  }
.Ltmp14:
0x19e: {  	_ = 	snop;
	(pc) =	sbr.rel .LBB2_21-.Ltmp14, $1  }
0x19f: {  	_ =	sdelay $0x3  }
.LBB2_23:
0x1a0: {  	_ =	sfence.sel $0x180000  }
0x1a1: {  	[bflag:$0x0] =	sbarrier.arrive $0xFFFF  }
0x1a2: {  	_ =	strace $0x90000047  }
0x1a3: {  	s0 =	stileid.u32;
	[bflag:$0x2] =	sbarrier.arrive $0xFFFF  }
0x1a4: {  	p0 =	sne.s32 s0, $0x0;
	s0 =	rddreg [dreg:$0x4]  }
0x1a5: {  	s0 =	sadd.s32 @!p0 $0x100000, s0  }
0x1a6: {  	[sflag:s0] =	ssyncadd.tile.s32 @!p0 $0x1;
	_ =	shalt  }
.Lfunc_end2:
_tile_overlayer_lowered:
.L_overlay_start_2:
0x1a7: {  	(tag) =	ssettag $0x2  }
0x1a8: {  	s0 =	rddreg [dreg:$0x0];
	s2 =	stileid.u32  }
0x1a9: {  	s1 =	rddreg [dreg:$0x1];
	p0 =	sne.s32 s2, $0x0  }
0x1aa: {  	s3 =	rddreg [dreg:$0x2];
	[bflag:$0x3] =	sbarrier.arrive $0xFFFF;
	s2 =	simm.s32 @!p0 $0x1C03  }
0x1ab: {  	[timem:s3], [sflag:s2] =	dma.local @!p0 [hbm:s0], s1  }
0x1ac: {  	s0 =	simm.s32 @!p0 $0x3  }
0x1ad: {  	_ =	swait.ge @!p0 [sflag:s0], s1  }
0x1ae: {  	s1 =	ssub.s32 @!p0 $0x0, s1;
	[sflag:s0] =	ssyncset.done @!p0 $0x0  }
0x1af: {  	[sflag:s0] =	ssyncadd.s32 @!p0 s1  }
0x1b0: {  	[bflag:$0x3] =	sbarrier.arrive $0xFFFF  }
0x1b1: {  	_ =	shalt  }

</sc_bundles>
